<compile_context>
chip_gen: v7x
topology: tpu7x:2x2x1
jax: 0.10.2.dev20260603
libtpu: 0.0.44.dev20260713+nightly
codegen_flags: <defaults>
</compile_context>

<pallas_src>
import functools

import jax
import jax.numpy as jnp
from jax import lax
from jax.experimental import pallas as pl
from jax.experimental.pallas import tpu as pltpu
from jax.experimental.pallas import tpu_sc as plsc

_D = 32
_DW = _D // 2
_NC = 2
_NS = 16
_NW = _NC * _NS
_CH = 1600


@functools.lru_cache(maxsize=None)
def _make_lookup(total: int):
    per_w = total // _NW
    nch = per_w // _CH
    mesh = plsc.VectorSubcoreMesh(core_axis_name="c", subcore_axis_name="s")

    @functools.partial(
        pl.kernel,
        mesh=mesh,
        out_type=jax.ShapeDtypeStruct((total, _D), jnp.float32),
        compiler_params=pltpu.CompilerParams(use_tc_tiling_on_sc=False),
        scratch_types=[
            pltpu.VMEM((per_w,), jnp.int32),
            pltpu.VMEM((_CH, _D), jnp.float32),
            pltpu.VMEM((_CH, _D), jnp.float32),
            pltpu.SemaphoreType.DMA,
            pltpu.SemaphoreType.DMA,
            pltpu.SemaphoreType.DMA,
            pltpu.SemaphoreType.DMA,
        ],
    )
    def lookup(idx_hbm, table_hbm, out_hbm, idx_v, buf0, buf1, g0, g1, o0, o1):
        wid = lax.axis_index("s") * _NC + lax.axis_index("c")
        base = wid * per_w
        pltpu.sync_copy(idx_hbm.at[pl.ds(base, per_w)], idx_v)

        bufs = (buf0, buf1)
        gsems = (g0, g1)
        osems = (o0, o1)

        def gather(i, b):
            return pltpu.make_async_copy(
                table_hbm.at[idx_v.at[pl.ds(i * _CH, _CH)]], bufs[b], gsems[b])

        def write(i, b):
            return pltpu.make_async_copy(
                bufs[b], out_hbm.at[pl.ds(base + i * _CH, _CH)], osems[b])

        gather(0, 0).start()
        if nch > 1:
            gather(1, 1).start()
        for i in range(nch):
            b = i % 2
            gather(i, b).wait()
            write(i, b).start()
            if i + 2 < nch:
                write(i, b).wait()
                gather(i + 2, b).start()
        if nch > 1:
            write(nch - 2, (nch - 2) % 2).wait()
        write(nch - 1, (nch - 1) % 2).wait()

    return lookup


def kernel(input, weight):
    b, h = input.shape
    idx = input.reshape(-1).astype(jnp.int32)
    table = weight.astype(jnp.float32)
    out = _make_lookup(idx.shape[0])(idx, table)
    return out.astype(jnp.bfloat16).reshape(b, h, _D)

# --- scband reference (transcript-rebuilt; emitter-appended) ---
"""Pipeline reference for scband-embedding-9758165696809 (READ-ONLY COPY).

The authoritative reference and input builder live on the scoring server;
editing this copy changes nothing except your own understanding.
"""

import jax, jax.numpy as jnp
import numpy as np

NUM_EMBEDDINGS = 1000000
EMBEDDING_DIM = 32
BATCH = 16384
HIST_LEN = 50


def setup_inputs(seed: int = 0) -> dict:
    key = jax.random.key(seed)
    k1, k2 = jax.random.split(key)
    inp = jax.random.randint(k1, (BATCH, HIST_LEN), 0, NUM_EMBEDDINGS, dtype=jnp.int64 if jax.config.jax_enable_x64 else jnp.int32)
    weight = (jax.random.normal(k2, (NUM_EMBEDDINGS, EMBEDDING_DIM), dtype=jnp.float32) * 0.02).astype(jnp.bfloat16)
    return {"input": inp, "weight": weight}


def reference(input, weight):
    # F.embedding(input, weight) == gather rows of weight by input indices
    y = jnp.take(weight, input, axis=0)
    return y

if __name__ == "__main__":
    import jax
    _d = setup_inputs()
    print(jax.jit(kernel)(*tuple(_d.values())))

</pallas_src>

<mosaic_0001>
#map = affine_map<(d0, d1) -> (0)>
#map1 = affine_map<(d0, d1) -> (0, 0)>
module attributes {stable_mosaic.version = 14 : i64} {
  func.func @lookup(%arg0: i32, %arg1: i32, %arg2: memref<819200xi32, #tpu.memory_space<hbm>>, %arg3: memref<1000000x32xf32, #tpu.memory_space<hbm>>, %arg4: memref<819200x32xf32, #tpu.memory_space<hbm>>, %arg5: memref<25600xi32, #tpu.memory_space<vmem>>, %arg6: memref<1600x32xf32, #tpu.memory_space<vmem>>, %arg7: memref<1600x32xf32, #tpu.memory_space<vmem>>, %arg8: memref<!tpu.dma_semaphore, #tpu.memory_space<semaphore_mem>>, %arg9: memref<!tpu.dma_semaphore, #tpu.memory_space<semaphore_mem>>, %arg10: memref<!tpu.dma_semaphore, #tpu.memory_space<semaphore_mem>>, %arg11: memref<!tpu.dma_semaphore, #tpu.memory_space<semaphore_mem>>) attributes {dimension_semantics = [#tpu.dimension_semantics<core_parallel>, #tpu.dimension_semantics<subcore_parallel>], iteration_bounds = array<i64: 2, 16>, scalar_prefetch = 0 : i64, scratch_operands = 7 : i64, tpu.core_type = #tpu.core_type<sc_vector_subcore>, window_params = [{transform_indices = #map}, {transform_indices = #map1}, {transform_indices = #map1}]} {
    %mul3A = arith.constant 2 : i32
    %mul3A_0 = arith.muli %arg1, %mul3A : i32
    %add3A = arith.addi %mul3A_0, %arg0 : i32
    %mul3A_1 = arith.constant 25600 : i32
    %mul3A_2 = arith.muli %add3A, %mul3A_1 : i32
    "tpu.region"() ({
      %run_scoped3A = tpu.sem_alloc : memref<!tpu.dma_semaphore, #tpu.memory_space<semaphore_mem>>
      %dma_start3A_353 = tpu.memref_slice %arg2[%mul3A_2] : memref<819200xi32, #tpu.memory_space<hbm>> -> memref<25600xi32, #tpu.memory_space<hbm>>
      %dma_start3A_354 = tpu.memref_slice %arg2[%mul3A_2] : memref<819200xi32, #tpu.memory_space<hbm>> -> memref<25600xi32, #tpu.memory_space<hbm>>
      tpu.enqueue_dma source(%dma_start3A_354 : memref<25600xi32, #tpu.memory_space<hbm>>) target(%arg5 : memref<25600xi32, #tpu.memory_space<vmem>>) target_semaphore(%run_scoped3A : memref<!tpu.dma_semaphore, #tpu.memory_space<semaphore_mem>>)
      %dma_wait3A_355 = tpu.memref_slice %arg2[%mul3A_2] : memref<819200xi32, #tpu.memory_space<hbm>> -> memref<25600xi32, #tpu.memory_space<hbm>>
      %dma_wait3A_356 = tpu.memref_slice %arg2[%mul3A_2] : memref<819200xi32, #tpu.memory_space<hbm>> -> memref<25600xi32, #tpu.memory_space<hbm>>
      tpu.wait_dma2 semaphore(%run_scoped3A : memref<!tpu.dma_semaphore, #tpu.memory_space<semaphore_mem>>) src(%dma_wait3A_356 : memref<25600xi32, #tpu.memory_space<hbm>>) dst(%arg5 : memref<25600xi32, #tpu.memory_space<vmem>>)
      tpu.yield
    }) : () -> ()
    %dma_start3A = arith.constant 0 : i32
    %dma_start3A_3 = tpu.memref_slice %arg5[%dma_start3A] : memref<25600xi32, #tpu.memory_space<vmem>> -> memref<1600xi32, #tpu.memory_space<vmem>>
    %dma_start3A_4 = arith.constant 0 : i32
    %dma_start3A_5 = arith.constant 0 : i32
    %dma_start3A_6 = tpu.memref_slice %arg3[%dma_start3A_4, %dma_start3A_5] : memref<1000000x32xf32, #tpu.memory_space<hbm>> -> memref<1000000x32xf32, #tpu.memory_space<hbm>>
    tpu.enqueue_indirect_dma source(%dma_start3A_6 : memref<1000000x32xf32, #tpu.memory_space<hbm>>) target(%arg6 : memref<1600x32xf32, #tpu.memory_space<vmem>>) offsets(%dma_start3A_3 : memref<1600xi32, #tpu.memory_space<vmem>>) semaphore(%arg8 : memref<!tpu.dma_semaphore, #tpu.memory_space<semaphore_mem>>)
    %dma_start3A_7 = arith.constant 1600 : i32
    %dma_start3A_8 = tpu.memref_slice %arg5[%dma_start3A_7] : memref<25600xi32, #tpu.memory_space<vmem>> -> memref<1600xi32, #tpu.memory_space<vmem>>
    %dma_start3A_9 = arith.constant 0 : i32
    %dma_start3A_10 = arith.constant 0 : i32
    %dma_start3A_11 = tpu.memref_slice %arg3[%dma_start3A_9, %dma_start3A_10] : memref<1000000x32xf32, #tpu.memory_space<hbm>> -> memref<1000000x32xf32, #tpu.memory_space<hbm>>
    tpu.enqueue_indirect_dma source(%dma_start3A_11 : memref<1000000x32xf32, #tpu.memory_space<hbm>>) target(%arg7 : memref<1600x32xf32, #tpu.memory_space<vmem>>) offsets(%dma_start3A_8 : memref<1600xi32, #tpu.memory_space<vmem>>) semaphore(%arg9 : memref<!tpu.dma_semaphore, #tpu.memory_space<semaphore_mem>>)
    %dma_wait3A = arith.constant 0 : i32
    %dma_wait3A_12 = tpu.memref_slice %arg5[%dma_wait3A] : memref<25600xi32, #tpu.memory_space<vmem>> -> memref<1600xi32, #tpu.memory_space<vmem>>
    %dma_wait3A_13 = arith.constant 0 : i32
    %dma_wait3A_14 = arith.constant 0 : i32
    %dma_wait3A_15 = tpu.memref_slice %arg3[%dma_wait3A_13, %dma_wait3A_14] : memref<1000000x32xf32, #tpu.memory_space<hbm>> -> memref<1000000x32xf32, #tpu.memory_space<hbm>>
    tpu.wait_indirect_dma semaphore(%arg8 : memref<!tpu.dma_semaphore, #tpu.memory_space<semaphore_mem>>) src(%dma_wait3A_15 : memref<1000000x32xf32, #tpu.memory_space<hbm>>) dst(%arg6 : memref<1600x32xf32, #tpu.memory_space<vmem>>)
    %add3A_16 = arith.constant 0 : i32
    %add3A_17 = arith.addi %mul3A_2, %add3A_16 : i32
    %dma_start3A_18 = arith.constant 0 : i32
    %dma_start3A_19 = tpu.memref_slice %arg4[%add3A_17, %dma_start3A_18] : memref<819200x32xf32, #tpu.memory_space<hbm>> -> memref<1600x32xf32, #tpu.memory_space<hbm>>
    %dma_start3A_20 = arith.constant 0 : i32
    %dma_start3A_21 = tpu.memref_slice %arg4[%add3A_17, %dma_start3A_20] : memref<819200x32xf32, #tpu.memory_space<hbm>> -> memref<1600x32xf32, #tpu.memory_space<hbm>>
    tpu.enqueue_dma source(%arg6 : memref<1600x32xf32, #tpu.memory_space<vmem>>) target(%dma_start3A_21 : memref<1600x32xf32, #tpu.memory_space<hbm>>) target_semaphore(%arg10 : memref<!tpu.dma_semaphore, #tpu.memory_space<semaphore_mem>>)
    %add3A_22 = arith.constant 0 : i32
    %add3A_23 = arith.addi %mul3A_2, %add3A_22 : i32
    %dma_wait3A_24 = arith.constant 0 : i32
    %dma_wait3A_25 = tpu.memref_slice %arg4[%add3A_23, %dma_wait3A_24] : memref<819200x32xf32, #tpu.memory_space<hbm>> -> memref<1600x32xf32, #tpu.memory_space<hbm>>
    %dma_wait3A_26 = arith.constant 0 : i32
    %dma_wait3A_27 = tpu.memref_slice %arg4[%add3A_23, %dma_wait3A_26] : memref<819200x32xf32, #tpu.memory_space<hbm>> -> memref<1600x32xf32, #tpu.memory_space<hbm>>
    tpu.wait_dma2 semaphore(%arg10 : memref<!tpu.dma_semaphore, #tpu.memory_space<semaphore_mem>>) src(%arg6 : memref<1600x32xf32, #tpu.memory_space<vmem>>) dst(%dma_wait3A_27 : memref<1600x32xf32, #tpu.memory_space<hbm>>)
    %dma_start3A_28 = arith.constant 3200 : i32
    %dma_start3A_29 = tpu.memref_slice %arg5[%dma_start3A_28] : memref<25600xi32, #tpu.memory_space<vmem>> -> memref<1600xi32, #tpu.memory_space<vmem>>
    %dma_start3A_30 = arith.constant 0 : i32
    %dma_start3A_31 = arith.constant 0 : i32
    %dma_start3A_32 = tpu.memref_slice %arg3[%dma_start3A_30, %dma_start3A_31] : memref<1000000x32xf32, #tpu.memory_space<hbm>> -> memref<1000000x32xf32, #tpu.memory_space<hbm>>
    tpu.enqueue_indirect_dma source(%dma_start3A_32 : memref<1000000x32xf32, #tpu.memory_space<hbm>>) target(%arg6 : memref<1600x32xf32, #tpu.memory_space<vmem>>) offsets(%dma_start3A_29 : memref<1600xi32, #tpu.memory_space<vmem>>) semaphore(%arg8 : memref<!tpu.dma_semaphore, #tpu.memory_space<semaphore_mem>>)
    %dma_wait3A_33 = arith.constant 1600 : i32
    %dma_wait3A_34 = tpu.memref_slice %arg5[%dma_wait3A_33] : memref<25600xi32, #tpu.memory_space<vmem>> -> memref<1600xi32, #tpu.memory_space<vmem>>
    %dma_wait3A_35 = arith.constant 0 : i32
    %dma_wait3A_36 = arith.constant 0 : i32
    %dma_wait3A_37 = tpu.memref_slice %arg3[%dma_wait3A_35, %dma_wait3A_36] : memref<1000000x32xf32, #tpu.memory_space<hbm>> -> memref<1000000x32xf32, #tpu.memory_space<hbm>>
    tpu.wait_indirect_dma semaphore(%arg9 : memref<!tpu.dma_semaphore, #tpu.memory_space<semaphore_mem>>) src(%dma_wait3A_37 : memref<1000000x32xf32, #tpu.memory_space<hbm>>) dst(%arg7 : memref<1600x32xf32, #tpu.memory_space<vmem>>)
    %add3A_38 = arith.constant 1600 : i32
    %add3A_39 = arith.addi %mul3A_2, %add3A_38 : i32
    %dma_start3A_40 = arith.constant 0 : i32
    %dma_start3A_41 = tpu.memref_slice %arg4[%add3A_39, %dma_start3A_40] : memref<819200x32xf32, #tpu.memory_space<hbm>> -> memref<1600x32xf32, #tpu.memory_space<hbm>>
    %dma_start3A_42 = arith.constant 0 : i32
    %dma_start3A_43 = tpu.memref_slice %arg4[%add3A_39, %dma_start3A_42] : memref<819200x32xf32, #tpu.memory_space<hbm>> -> memref<1600x32xf32, #tpu.memory_space<hbm>>
    tpu.enqueue_dma source(%arg7 : memref<1600x32xf32, #tpu.memory_space<vmem>>) target(%dma_start3A_43 : memref<1600x32xf32, #tpu.memory_space<hbm>>) target_semaphore(%arg11 : memref<!tpu.dma_semaphore, #tpu.memory_space<semaphore_mem>>)
    %add3A_44 = arith.constant 1600 : i32
    %add3A_45 = arith.addi %mul3A_2, %add3A_44 : i32
    %dma_wait3A_46 = arith.constant 0 : i32
    %dma_wait3A_47 = tpu.memref_slice %arg4[%add3A_45, %dma_wait3A_46] : memref<819200x32xf32, #tpu.memory_space<hbm>> -> memref<1600x32xf32, #tpu.memory_space<hbm>>
    %dma_wait3A_48 = arith.constant 0 : i32
    %dma_wait3A_49 = tpu.memref_slice %arg4[%add3A_45, %dma_wait3A_48] : memref<819200x32xf32, #tpu.memory_space<hbm>> -> memref<1600x32xf32, #tpu.memory_space<hbm>>
    tpu.wait_dma2 semaphore(%arg11 : memref<!tpu.dma_semaphore, #tpu.memory_space<semaphore_mem>>) src(%arg7 : memref<1600x32xf32, #tpu.memory_space<vmem>>) dst(%dma_wait3A_49 : memref<1600x32xf32, #tpu.memory_space<hbm>>)
    %dma_start3A_50 = arith.constant 4800 : i32
    %dma_start3A_51 = tpu.memref_slice %arg5[%dma_start3A_50] : memref<25600xi32, #tpu.memory_space<vmem>> -> memref<1600xi32, #tpu.memory_space<vmem>>
    %dma_start3A_52 = arith.constant 0 : i32
    %dma_start3A_53 = arith.constant 0 : i32
    %dma_start3A_54 = tpu.memref_slice %arg3[%dma_start3A_52, %dma_start3A_53] : memref<1000000x32xf32, #tpu.memory_space<hbm>> -> memref<1000000x32xf32, #tpu.memory_space<hbm>>
    tpu.enqueue_indirect_dma source(%dma_start3A_54 : memref<1000000x32xf32, #tpu.memory_space<hbm>>) target(%arg7 : memref<1600x32xf32, #tpu.memory_space<vmem>>) offsets(%dma_start3A_51 : memref<1600xi32, #tpu.memory_space<vmem>>) semaphore(%arg9 : memref<!tpu.dma_semaphore, #tpu.memory_space<semaphore_mem>>)
    %dma_wait3A_55 = arith.constant 3200 : i32
    %dma_wait3A_56 = tpu.memref_slice %arg5[%dma_wait3A_55] : memref<25600xi32, #tpu.memory_space<vmem>> -> memref<1600xi32, #tpu.memory_space<vmem>>
    %dma_wait3A_57 = arith.constant 0 : i32
    %dma_wait3A_58 = arith.constant 0 : i32
    %dma_wait3A_59 = tpu.memref_slice %arg3[%dma_wait3A_57, %dma_wait3A_58] : memref<1000000x32xf32, #tpu.memory_space<hbm>> -> memref<1000000x32xf32, #tpu.memory_space<hbm>>
    tpu.wait_indirect_dma semaphore(%arg8 : memref<!tpu.dma_semaphore, #tpu.memory_space<semaphore_mem>>) src(%dma_wait3A_59 : memref<1000000x32xf32, #tpu.memory_space<hbm>>) dst(%arg6 : memref<1600x32xf32, #tpu.memory_space<vmem>>)
    %add3A_60 = arith.constant 3200 : i32
    %add3A_61 = arith.addi %mul3A_2, %add3A_60 : i32
    %dma_start3A_62 = arith.constant 0 : i32
    %dma_start3A_63 = tpu.memref_slice %arg4[%add3A_61, %dma_start3A_62] : memref<819200x32xf32, #tpu.memory_space<hbm>> -> memref<1600x32xf32, #tpu.memory_space<hbm>>
    %dma_start3A_64 = arith.constant 0 : i32
    %dma_start3A_65 = tpu.memref_slice %arg4[%add3A_61, %dma_start3A_64] : memref<819200x32xf32, #tpu.memory_space<hbm>> -> memref<1600x32xf32, #tpu.memory_space<hbm>>
    tpu.enqueue_dma source(%arg6 : memref<1600x32xf32, #tpu.memory_space<vmem>>) target(%dma_start3A_65 : memref<1600x32xf32, #tpu.memory_space<hbm>>) target_semaphore(%arg10 : memref<!tpu.dma_semaphore, #tpu.memory_space<semaphore_mem>>)
    %add3A_66 = arith.constant 3200 : i32
    %add3A_67 = arith.addi %mul3A_2, %add3A_66 : i32
    %dma_wait3A_68 = arith.constant 0 : i32
    %dma_wait3A_69 = tpu.memref_slice %arg4[%add3A_67, %dma_wait3A_68] : memref<819200x32xf32, #tpu.memory_space<hbm>> -> memref<1600x32xf32, #tpu.memory_space<hbm>>
    %dma_wait3A_70 = arith.constant 0 : i32
    %dma_wait3A_71 = tpu.memref_slice %arg4[%add3A_67, %dma_wait3A_70] : memref<819200x32xf32, #tpu.memory_space<hbm>> -> memref<1600x32xf32, #tpu.memory_space<hbm>>
    tpu.wait_dma2 semaphore(%arg10 : memref<!tpu.dma_semaphore, #tpu.memory_space<semaphore_mem>>) src(%arg6 : memref<1600x32xf32, #tpu.memory_space<vmem>>) dst(%dma_wait3A_71 : memref<1600x32xf32, #tpu.memory_space<hbm>>)
    %dma_start3A_72 = arith.constant 6400 : i32
    %dma_start3A_73 = tpu.memref_slice %arg5[%dma_start3A_72] : memref<25600xi32, #tpu.memory_space<vmem>> -> memref<1600xi32, #tpu.memory_space<vmem>>
    %dma_start3A_74 = arith.constant 0 : i32
    %dma_start3A_75 = arith.constant 0 : i32
    %dma_start3A_76 = tpu.memref_slice %arg3[%dma_start3A_74, %dma_start3A_75] : memref<1000000x32xf32, #tpu.memory_space<hbm>> -> memref<1000000x32xf32, #tpu.memory_space<hbm>>
    tpu.enqueue_indirect_dma source(%dma_start3A_76 : memref<1000000x32xf32, #tpu.memory_space<hbm>>) target(%arg6 : memref<1600x32xf32, #tpu.memory_space<vmem>>) offsets(%dma_start3A_73 : memref<1600xi32, #tpu.memory_space<vmem>>) semaphore(%arg8 : memref<!tpu.dma_semaphore, #tpu.memory_space<semaphore_mem>>)
    %dma_wait3A_77 = arith.constant 4800 : i32
    %dma_wait3A_78 = tpu.memref_slice %arg5[%dma_wait3A_77] : memref<25600xi32, #tpu.memory_space<vmem>> -> memref<1600xi32, #tpu.memory_space<vmem>>
    %dma_wait3A_79 = arith.constant 0 : i32
    %dma_wait3A_80 = arith.constant 0 : i32
    %dma_wait3A_81 = tpu.memref_slice %arg3[%dma_wait3A_79, %dma_wait3A_80] : memref<1000000x32xf32, #tpu.memory_space<hbm>> -> memref<1000000x32xf32, #tpu.memory_space<hbm>>
    tpu.wait_indirect_dma semaphore(%arg9 : memref<!tpu.dma_semaphore, #tpu.memory_space<semaphore_mem>>) src(%dma_wait3A_81 : memref<1000000x32xf32, #tpu.memory_space<hbm>>) dst(%arg7 : memref<1600x32xf32, #tpu.memory_space<vmem>>)
    %add3A_82 = arith.constant 4800 : i32
    %add3A_83 = arith.addi %mul3A_2, %add3A_82 : i32
    %dma_start3A_84 = arith.constant 0 : i32
    %dma_start3A_85 = tpu.memref_slice %arg4[%add3A_83, %dma_start3A_84] : memref<819200x32xf32, #tpu.memory_space<hbm>> -> memref<1600x32xf32, #tpu.memory_space<hbm>>
    %dma_start3A_86 = arith.constant 0 : i32
    %dma_start3A_87 = tpu.memref_slice %arg4[%add3A_83, %dma_start3A_86] : memref<819200x32xf32, #tpu.memory_space<hbm>> -> memref<1600x32xf32, #tpu.memory_space<hbm>>
    tpu.enqueue_dma source(%arg7 : memref<1600x32xf32, #tpu.memory_space<vmem>>) target(%dma_start3A_87 : memref<1600x32xf32, #tpu.memory_space<hbm>>) target_semaphore(%arg11 : memref<!tpu.dma_semaphore, #tpu.memory_space<semaphore_mem>>)
    %add3A_88 = arith.constant 4800 : i32
    %add3A_89 = arith.addi %mul3A_2, %add3A_88 : i32
    %dma_wait3A_90 = arith.constant 0 : i32
    %dma_wait3A_91 = tpu.memref_slice %arg4[%add3A_89, %dma_wait3A_90] : memref<819200x32xf32, #tpu.memory_space<hbm>> -> memref<1600x32xf32, #tpu.memory_space<hbm>>
    %dma_wait3A_92 = arith.constant 0 : i32
    %dma_wait3A_93 = tpu.memref_slice %arg4[%add3A_89, %dma_wait3A_92] : memref<819200x32xf32, #tpu.memory_space<hbm>> -> memref<1600x32xf32, #tpu.memory_space<hbm>>
    tpu.wait_dma2 semaphore(%arg11 : memref<!tpu.dma_semaphore, #tpu.memory_space<semaphore_mem>>) src(%arg7 : memref<1600x32xf32, #tpu.memory_space<vmem>>) dst(%dma_wait3A_93 : memref<1600x32xf32, #tpu.memory_space<hbm>>)
    %dma_start3A_94 = arith.constant 8000 : i32
    %dma_start3A_95 = tpu.memref_slice %arg5[%dma_start3A_94] : memref<25600xi32, #tpu.memory_space<vmem>> -> memref<1600xi32, #tpu.memory_space<vmem>>
    %dma_start3A_96 = arith.constant 0 : i32
    %dma_start3A_97 = arith.constant 0 : i32
    %dma_start3A_98 = tpu.memref_slice %arg3[%dma_start3A_96, %dma_start3A_97] : memref<1000000x32xf32, #tpu.memory_space<hbm>> -> memref<1000000x32xf32, #tpu.memory_space<hbm>>
    tpu.enqueue_indirect_dma source(%dma_start3A_98 : memref<1000000x32xf32, #tpu.memory_space<hbm>>) target(%arg7 : memref<1600x32xf32, #tpu.memory_space<vmem>>) offsets(%dma_start3A_95 : memref<1600xi32, #tpu.memory_space<vmem>>) semaphore(%arg9 : memref<!tpu.dma_semaphore, #tpu.memory_space<semaphore_mem>>)
    %dma_wait3A_99 = arith.constant 6400 : i32
    %dma_wait3A_100 = tpu.memref_slice %arg5[%dma_wait3A_99] : memref<25600xi32, #tpu.memory_space<vmem>> -> memref<1600xi32, #tpu.memory_space<vmem>>
    %dma_wait3A_101 = arith.constant 0 : i32
    %dma_wait3A_102 = arith.constant 0 : i32
    %dma_wait3A_103 = tpu.memref_slice %arg3[%dma_wait3A_101, %dma_wait3A_102] : memref<1000000x32xf32, #tpu.memory_space<hbm>> -> memref<1000000x32xf32, #tpu.memory_space<hbm>>
    tpu.wait_indirect_dma semaphore(%arg8 : memref<!tpu.dma_semaphore, #tpu.memory_space<semaphore_mem>>) src(%dma_wait3A_103 : memref<1000000x32xf32, #tpu.memory_space<hbm>>) dst(%arg6 : memref<1600x32xf32, #tpu.memory_space<vmem>>)
    %add3A_104 = arith.constant 6400 : i32
    %add3A_105 = arith.addi %mul3A_2, %add3A_104 : i32
    %dma_start3A_106 = arith.constant 0 : i32
    %dma_start3A_107 = tpu.memref_slice %arg4[%add3A_105, %dma_start3A_106] : memref<819200x32xf32, #tpu.memory_space<hbm>> -> memref<1600x32xf32, #tpu.memory_space<hbm>>
    %dma_start3A_108 = arith.constant 0 : i32
    %dma_start3A_109 = tpu.memref_slice %arg4[%add3A_105, %dma_start3A_108] : memref<819200x32xf32, #tpu.memory_space<hbm>> -> memref<1600x32xf32, #tpu.memory_space<hbm>>
    tpu.enqueue_dma source(%arg6 : memref<1600x32xf32, #tpu.memory_space<vmem>>) target(%dma_start3A_109 : memref<1600x32xf32, #tpu.memory_space<hbm>>) target_semaphore(%arg10 : memref<!tpu.dma_semaphore, #tpu.memory_space<semaphore_mem>>)
    %add3A_110 = arith.constant 6400 : i32
    %add3A_111 = arith.addi %mul3A_2, %add3A_110 : i32
    %dma_wait3A_112 = arith.constant 0 : i32
    %dma_wait3A_113 = tpu.memref_slice %arg4[%add3A_111, %dma_wait3A_112] : memref<819200x32xf32, #tpu.memory_space<hbm>> -> memref<1600x32xf32, #tpu.memory_space<hbm>>
    %dma_wait3A_114 = arith.constant 0 : i32
    %dma_wait3A_115 = tpu.memref_slice %arg4[%add3A_111, %dma_wait3A_114] : memref<819200x32xf32, #tpu.memory_space<hbm>> -> memref<1600x32xf32, #tpu.memory_space<hbm>>
    tpu.wait_dma2 semaphore(%arg10 : memref<!tpu.dma_semaphore, #tpu.memory_space<semaphore_mem>>) src(%arg6 : memref<1600x32xf32, #tpu.memory_space<vmem>>) dst(%dma_wait3A_115 : memref<1600x32xf32, #tpu.memory_space<hbm>>)
    %dma_start3A_116 = arith.constant 9600 : i32
    %dma_start3A_117 = tpu.memref_slice %arg5[%dma_start3A_116] : memref<25600xi32, #tpu.memory_space<vmem>> -> memref<1600xi32, #tpu.memory_space<vmem>>
    %dma_start3A_118 = arith.constant 0 : i32
    %dma_start3A_119 = arith.constant 0 : i32
    %dma_start3A_120 = tpu.memref_slice %arg3[%dma_start3A_118, %dma_start3A_119] : memref<1000000x32xf32, #tpu.memory_space<hbm>> -> memref<1000000x32xf32, #tpu.memory_space<hbm>>
    tpu.enqueue_indirect_dma source(%dma_start3A_120 : memref<1000000x32xf32, #tpu.memory_space<hbm>>) target(%arg6 : memref<1600x32xf32, #tpu.memory_space<vmem>>) offsets(%dma_start3A_117 : memref<1600xi32, #tpu.memory_space<vmem>>) semaphore(%arg8 : memref<!tpu.dma_semaphore, #tpu.memory_space<semaphore_mem>>)
    %dma_wait3A_121 = arith.constant 8000 : i32
    %dma_wait3A_122 = tpu.memref_slice %arg5[%dma_wait3A_121] : memref<25600xi32, #tpu.memory_space<vmem>> -> memref<1600xi32, #tpu.memory_space<vmem>>
    %dma_wait3A_123 = arith.constant 0 : i32
    %dma_wait3A_124 = arith.constant 0 : i32
    %dma_wait3A_125 = tpu.memref_slice %arg3[%dma_wait3A_123, %dma_wait3A_124] : memref<1000000x32xf32, #tpu.memory_space<hbm>> -> memref<1000000x32xf32, #tpu.memory_space<hbm>>
    tpu.wait_indirect_dma semaphore(%arg9 : memref<!tpu.dma_semaphore, #tpu.memory_space<semaphore_mem>>) src(%dma_wait3A_125 : memref<1000000x32xf32, #tpu.memory_space<hbm>>) dst(%arg7 : memref<1600x32xf32, #tpu.memory_space<vmem>>)
    %add3A_126 = arith.constant 8000 : i32
    %add3A_127 = arith.addi %mul3A_2, %add3A_126 : i32
    %dma_start3A_128 = arith.constant 0 : i32
    %dma_start3A_129 = tpu.memref_slice %arg4[%add3A_127, %dma_start3A_128] : memref<819200x32xf32, #tpu.memory_space<hbm>> -> memref<1600x32xf32, #tpu.memory_space<hbm>>
    %dma_start3A_130 = arith.constant 0 : i32
    %dma_start3A_131 = tpu.memref_slice %arg4[%add3A_127, %dma_start3A_130] : memref<819200x32xf32, #tpu.memory_space<hbm>> -> memref<1600x32xf32, #tpu.memory_space<hbm>>
    tpu.enqueue_dma source(%arg7 : memref<1600x32xf32, #tpu.memory_space<vmem>>) target(%dma_start3A_131 : memref<1600x32xf32, #tpu.memory_space<hbm>>) target_semaphore(%arg11 : memref<!tpu.dma_semaphore, #tpu.memory_space<semaphore_mem>>)
    %add3A_132 = arith.constant 8000 : i32
    %add3A_133 = arith.addi %mul3A_2, %add3A_132 : i32
    %dma_wait3A_134 = arith.constant 0 : i32
    %dma_wait3A_135 = tpu.memref_slice %arg4[%add3A_133, %dma_wait3A_134] : memref<819200x32xf32, #tpu.memory_space<hbm>> -> memref<1600x32xf32, #tpu.memory_space<hbm>>
    %dma_wait3A_136 = arith.constant 0 : i32
    %dma_wait3A_137 = tpu.memref_slice %arg4[%add3A_133, %dma_wait3A_136] : memref<819200x32xf32, #tpu.memory_space<hbm>> -> memref<1600x32xf32, #tpu.memory_space<hbm>>
    tpu.wait_dma2 semaphore(%arg11 : memref<!tpu.dma_semaphore, #tpu.memory_space<semaphore_mem>>) src(%arg7 : memref<1600x32xf32, #tpu.memory_space<vmem>>) dst(%dma_wait3A_137 : memref<1600x32xf32, #tpu.memory_space<hbm>>)
    %dma_start3A_138 = arith.constant 11200 : i32
    %dma_start3A_139 = tpu.memref_slice %arg5[%dma_start3A_138] : memref<25600xi32, #tpu.memory_space<vmem>> -> memref<1600xi32, #tpu.memory_space<vmem>>
    %dma_start3A_140 = arith.constant 0 : i32
    %dma_start3A_141 = arith.constant 0 : i32
    %dma_start3A_142 = tpu.memref_slice %arg3[%dma_start3A_140, %dma_start3A_141] : memref<1000000x32xf32, #tpu.memory_space<hbm>> -> memref<1000000x32xf32, #tpu.memory_space<hbm>>
    tpu.enqueue_indirect_dma source(%dma_start3A_142 : memref<1000000x32xf32, #tpu.memory_space<hbm>>) target(%arg7 : memref<1600x32xf32, #tpu.memory_space<vmem>>) offsets(%dma_start3A_139 : memref<1600xi32, #tpu.memory_space<vmem>>) semaphore(%arg9 : memref<!tpu.dma_semaphore, #tpu.memory_space<semaphore_mem>>)
    %dma_wait3A_143 = arith.constant 9600 : i32
    %dma_wait3A_144 = tpu.memref_slice %arg5[%dma_wait3A_143] : memref<25600xi32, #tpu.memory_space<vmem>> -> memref<1600xi32, #tpu.memory_space<vmem>>
    %dma_wait3A_145 = arith.constant 0 : i32
    %dma_wait3A_146 = arith.constant 0 : i32
    %dma_wait3A_147 = tpu.memref_slice %arg3[%dma_wait3A_145, %dma_wait3A_146] : memref<1000000x32xf32, #tpu.memory_space<hbm>> -> memref<1000000x32xf32, #tpu.memory_space<hbm>>
    tpu.wait_indirect_dma semaphore(%arg8 : memref<!tpu.dma_semaphore, #tpu.memory_space<semaphore_mem>>) src(%dma_wait3A_147 : memref<1000000x32xf32, #tpu.memory_space<hbm>>) dst(%arg6 : memref<1600x32xf32, #tpu.memory_space<vmem>>)
    %add3A_148 = arith.constant 9600 : i32
    %add3A_149 = arith.addi %mul3A_2, %add3A_148 : i32
    %dma_start3A_150 = arith.constant 0 : i32
    %dma_start3A_151 = tpu.memref_slice %arg4[%add3A_149, %dma_start3A_150] : memref<819200x32xf32, #tpu.memory_space<hbm>> -> memref<1600x32xf32, #tpu.memory_space<hbm>>
    %dma_start3A_152 = arith.constant 0 : i32
    %dma_start3A_153 = tpu.memref_slice %arg4[%add3A_149, %dma_start3A_152] : memref<819200x32xf32, #tpu.memory_space<hbm>> -> memref<1600x32xf32, #tpu.memory_space<hbm>>
    tpu.enqueue_dma source(%arg6 : memref<1600x32xf32, #tpu.memory_space<vmem>>) target(%dma_start3A_153 : memref<1600x32xf32, #tpu.memory_space<hbm>>) target_semaphore(%arg10 : memref<!tpu.dma_semaphore, #tpu.memory_space<semaphore_mem>>)
    %add3A_154 = arith.constant 9600 : i32
    %add3A_155 = arith.addi %mul3A_2, %add3A_154 : i32
    %dma_wait3A_156 = arith.constant 0 : i32
    %dma_wait3A_157 = tpu.memref_slice %arg4[%add3A_155, %dma_wait3A_156] : memref<819200x32xf32, #tpu.memory_space<hbm>> -> memref<1600x32xf32, #tpu.memory_space<hbm>>
    %dma_wait3A_158 = arith.constant 0 : i32
    %dma_wait3A_159 = tpu.memref_slice %arg4[%add3A_155, %dma_wait3A_158] : memref<819200x32xf32, #tpu.memory_space<hbm>> -> memref<1600x32xf32, #tpu.memory_space<hbm>>
    tpu.wait_dma2 semaphore(%arg10 : memref<!tpu.dma_semaphore, #tpu.memory_space<semaphore_mem>>) src(%arg6 : memref<1600x32xf32, #tpu.memory_space<vmem>>) dst(%dma_wait3A_159 : memref<1600x32xf32, #tpu.memory_space<hbm>>)
    %dma_start3A_160 = arith.constant 12800 : i32
    %dma_start3A_161 = tpu.memref_slice %arg5[%dma_start3A_160] : memref<25600xi32, #tpu.memory_space<vmem>> -> memref<1600xi32, #tpu.memory_space<vmem>>
    %dma_start3A_162 = arith.constant 0 : i32
    %dma_start3A_163 = arith.constant 0 : i32
    %dma_start3A_164 = tpu.memref_slice %arg3[%dma_start3A_162, %dma_start3A_163] : memref<1000000x32xf32, #tpu.memory_space<hbm>> -> memref<1000000x32xf32, #tpu.memory_space<hbm>>
    tpu.enqueue_indirect_dma source(%dma_start3A_164 : memref<1000000x32xf32, #tpu.memory_space<hbm>>) target(%arg6 : memref<1600x32xf32, #tpu.memory_space<vmem>>) offsets(%dma_start3A_161 : memref<1600xi32, #tpu.memory_space<vmem>>) semaphore(%arg8 : memref<!tpu.dma_semaphore, #tpu.memory_space<semaphore_mem>>)
    %dma_wait3A_165 = arith.constant 11200 : i32
    %dma_wait3A_166 = tpu.memref_slice %arg5[%dma_wait3A_165] : memref<25600xi32, #tpu.memory_space<vmem>> -> memref<1600xi32, #tpu.memory_space<vmem>>
    %dma_wait3A_167 = arith.constant 0 : i32
    %dma_wait3A_168 = arith.constant 0 : i32
    %dma_wait3A_169 = tpu.memref_slice %arg3[%dma_wait3A_167, %dma_wait3A_168] : memref<1000000x32xf32, #tpu.memory_space<hbm>> -> memref<1000000x32xf32, #tpu.memory_space<hbm>>
    tpu.wait_indirect_dma semaphore(%arg9 : memref<!tpu.dma_semaphore, #tpu.memory_space<semaphore_mem>>) src(%dma_wait3A_169 : memref<1000000x32xf32, #tpu.memory_space<hbm>>) dst(%arg7 : memref<1600x32xf32, #tpu.memory_space<vmem>>)
    %add3A_170 = arith.constant 11200 : i32
    %add3A_171 = arith.addi %mul3A_2, %add3A_170 : i32
    %dma_start3A_172 = arith.constant 0 : i32
    %dma_start3A_173 = tpu.memref_slice %arg4[%add3A_171, %dma_start3A_172] : memref<819200x32xf32, #tpu.memory_space<hbm>> -> memref<1600x32xf32, #tpu.memory_space<hbm>>
    %dma_start3A_174 = arith.constant 0 : i32
    %dma_start3A_175 = tpu.memref_slice %arg4[%add3A_171, %dma_start3A_174] : memref<819200x32xf32, #tpu.memory_space<hbm>> -> memref<1600x32xf32, #tpu.memory_space<hbm>>
    tpu.enqueue_dma source(%arg7 : memref<1600x32xf32, #tpu.memory_space<vmem>>) target(%dma_start3A_175 : memref<1600x32xf32, #tpu.memory_space<hbm>>) target_semaphore(%arg11 : memref<!tpu.dma_semaphore, #tpu.memory_space<semaphore_mem>>)
    %add3A_176 = arith.constant 11200 : i32
    %add3A_177 = arith.addi %mul3A_2, %add3A_176 : i32
    %dma_wait3A_178 = arith.constant 0 : i32
    %dma_wait3A_179 = tpu.memref_slice %arg4[%add3A_177, %dma_wait3A_178] : memref<819200x32xf32, #tpu.memory_space<hbm>> -> memref<1600x32xf32, #tpu.memory_space<hbm>>
    %dma_wait3A_180 = arith.constant 0 : i32
    %dma_wait3A_181 = tpu.memref_slice %arg4[%add3A_177, %dma_wait3A_180] : memref<819200x32xf32, #tpu.memory_space<hbm>> -> memref<1600x32xf32, #tpu.memory_space<hbm>>
    tpu.wait_dma2 semaphore(%arg11 : memref<!tpu.dma_semaphore, #tpu.memory_space<semaphore_mem>>) src(%arg7 : memref<1600x32xf32, #tpu.memory_space<vmem>>) dst(%dma_wait3A_181 : memref<1600x32xf32, #tpu.memory_space<hbm>>)
    %dma_start3A_182 = arith.constant 14400 : i32
    %dma_start3A_183 = tpu.memref_slice %arg5[%dma_start3A_182] : memref<25600xi32, #tpu.memory_space<vmem>> -> memref<1600xi32, #tpu.memory_space<vmem>>
    %dma_start3A_184 = arith.constant 0 : i32
    %dma_start3A_185 = arith.constant 0 : i32
    %dma_start3A_186 = tpu.memref_slice %arg3[%dma_start3A_184, %dma_start3A_185] : memref<1000000x32xf32, #tpu.memory_space<hbm>> -> memref<1000000x32xf32, #tpu.memory_space<hbm>>
    tpu.enqueue_indirect_dma source(%dma_start3A_186 : memref<1000000x32xf32, #tpu.memory_space<hbm>>) target(%arg7 : memref<1600x32xf32, #tpu.memory_space<vmem>>) offsets(%dma_start3A_183 : memref<1600xi32, #tpu.memory_space<vmem>>) semaphore(%arg9 : memref<!tpu.dma_semaphore, #tpu.memory_space<semaphore_mem>>)
    %dma_wait3A_187 = arith.constant 12800 : i32
    %dma_wait3A_188 = tpu.memref_slice %arg5[%dma_wait3A_187] : memref<25600xi32, #tpu.memory_space<vmem>> -> memref<1600xi32, #tpu.memory_space<vmem>>
    %dma_wait3A_189 = arith.constant 0 : i32
    %dma_wait3A_190 = arith.constant 0 : i32
    %dma_wait3A_191 = tpu.memref_slice %arg3[%dma_wait3A_189, %dma_wait3A_190] : memref<1000000x32xf32, #tpu.memory_space<hbm>> -> memref<1000000x32xf32, #tpu.memory_space<hbm>>
    tpu.wait_indirect_dma semaphore(%arg8 : memref<!tpu.dma_semaphore, #tpu.memory_space<semaphore_mem>>) src(%dma_wait3A_191 : memref<1000000x32xf32, #tpu.memory_space<hbm>>) dst(%arg6 : memref<1600x32xf32, #tpu.memory_space<vmem>>)
    %add3A_192 = arith.constant 12800 : i32
    %add3A_193 = arith.addi %mul3A_2, %add3A_192 : i32
    %dma_start3A_194 = arith.constant 0 : i32
    %dma_start3A_195 = tpu.memref_slice %arg4[%add3A_193, %dma_start3A_194] : memref<819200x32xf32, #tpu.memory_space<hbm>> -> memref<1600x32xf32, #tpu.memory_space<hbm>>
    %dma_start3A_196 = arith.constant 0 : i32
    %dma_start3A_197 = tpu.memref_slice %arg4[%add3A_193, %dma_start3A_196] : memref<819200x32xf32, #tpu.memory_space<hbm>> -> memref<1600x32xf32, #tpu.memory_space<hbm>>
    tpu.enqueue_dma source(%arg6 : memref<1600x32xf32, #tpu.memory_space<vmem>>) target(%dma_start3A_197 : memref<1600x32xf32, #tpu.memory_space<hbm>>) target_semaphore(%arg10 : memref<!tpu.dma_semaphore, #tpu.memory_space<semaphore_mem>>)
    %add3A_198 = arith.constant 12800 : i32
    %add3A_199 = arith.addi %mul3A_2, %add3A_198 : i32
    %dma_wait3A_200 = arith.constant 0 : i32
    %dma_wait3A_201 = tpu.memref_slice %arg4[%add3A_199, %dma_wait3A_200] : memref<819200x32xf32, #tpu.memory_space<hbm>> -> memref<1600x32xf32, #tpu.memory_space<hbm>>
    %dma_wait3A_202 = arith.constant 0 : i32
    %dma_wait3A_203 = tpu.memref_slice %arg4[%add3A_199, %dma_wait3A_202] : memref<819200x32xf32, #tpu.memory_space<hbm>> -> memref<1600x32xf32, #tpu.memory_space<hbm>>
    tpu.wait_dma2 semaphore(%arg10 : memref<!tpu.dma_semaphore, #tpu.memory_space<semaphore_mem>>) src(%arg6 : memref<1600x32xf32, #tpu.memory_space<vmem>>) dst(%dma_wait3A_203 : memref<1600x32xf32, #tpu.memory_space<hbm>>)
    %dma_start3A_204 = arith.constant 16000 : i32
    %dma_start3A_205 = tpu.memref_slice %arg5[%dma_start3A_204] : memref<25600xi32, #tpu.memory_space<vmem>> -> memref<1600xi32, #tpu.memory_space<vmem>>
    %dma_start3A_206 = arith.constant 0 : i32
    %dma_start3A_207 = arith.constant 0 : i32
    %dma_start3A_208 = tpu.memref_slice %arg3[%dma_start3A_206, %dma_start3A_207] : memref<1000000x32xf32, #tpu.memory_space<hbm>> -> memref<1000000x32xf32, #tpu.memory_space<hbm>>
    tpu.enqueue_indirect_dma source(%dma_start3A_208 : memref<1000000x32xf32, #tpu.memory_space<hbm>>) target(%arg6 : memref<1600x32xf32, #tpu.memory_space<vmem>>) offsets(%dma_start3A_205 : memref<1600xi32, #tpu.memory_space<vmem>>) semaphore(%arg8 : memref<!tpu.dma_semaphore, #tpu.memory_space<semaphore_mem>>)
    %dma_wait3A_209 = arith.constant 14400 : i32
    %dma_wait3A_210 = tpu.memref_slice %arg5[%dma_wait3A_209] : memref<25600xi32, #tpu.memory_space<vmem>> -> memref<1600xi32, #tpu.memory_space<vmem>>
    %dma_wait3A_211 = arith.constant 0 : i32
    %dma_wait3A_212 = arith.constant 0 : i32
    %dma_wait3A_213 = tpu.memref_slice %arg3[%dma_wait3A_211, %dma_wait3A_212] : memref<1000000x32xf32, #tpu.memory_space<hbm>> -> memref<1000000x32xf32, #tpu.memory_space<hbm>>
    tpu.wait_indirect_dma semaphore(%arg9 : memref<!tpu.dma_semaphore, #tpu.memory_space<semaphore_mem>>) src(%dma_wait3A_213 : memref<1000000x32xf32, #tpu.memory_space<hbm>>) dst(%arg7 : memref<1600x32xf32, #tpu.memory_space<vmem>>)
    %add3A_214 = arith.constant 14400 : i32
    %add3A_215 = arith.addi %mul3A_2, %add3A_214 : i32
    %dma_start3A_216 = arith.constant 0 : i32
    %dma_start3A_217 = tpu.memref_slice %arg4[%add3A_215, %dma_start3A_216] : memref<819200x32xf32, #tpu.memory_space<hbm>> -> memref<1600x32xf32, #tpu.memory_space<hbm>>
    %dma_start3A_218 = arith.constant 0 : i32
    %dma_start3A_219 = tpu.memref_slice %arg4[%add3A_215, %dma_start3A_218] : memref<819200x32xf32, #tpu.memory_space<hbm>> -> memref<1600x32xf32, #tpu.memory_space<hbm>>
    tpu.enqueue_dma source(%arg7 : memref<1600x32xf32, #tpu.memory_space<vmem>>) target(%dma_start3A_219 : memref<1600x32xf32, #tpu.memory_space<hbm>>) target_semaphore(%arg11 : memref<!tpu.dma_semaphore, #tpu.memory_space<semaphore_mem>>)
    %add3A_220 = arith.constant 14400 : i32
    %add3A_221 = arith.addi %mul3A_2, %add3A_220 : i32
    %dma_wait3A_222 = arith.constant 0 : i32
    %dma_wait3A_223 = tpu.memref_slice %arg4[%add3A_221, %dma_wait3A_222] : memref<819200x32xf32, #tpu.memory_space<hbm>> -> memref<1600x32xf32, #tpu.memory_space<hbm>>
    %dma_wait3A_224 = arith.constant 0 : i32
    %dma_wait3A_225 = tpu.memref_slice %arg4[%add3A_221, %dma_wait3A_224] : memref<819200x32xf32, #tpu.memory_space<hbm>> -> memref<1600x32xf32, #tpu.memory_space<hbm>>
    tpu.wait_dma2 semaphore(%arg11 : memref<!tpu.dma_semaphore, #tpu.memory_space<semaphore_mem>>) src(%arg7 : memref<1600x32xf32, #tpu.memory_space<vmem>>) dst(%dma_wait3A_225 : memref<1600x32xf32, #tpu.memory_space<hbm>>)
    %dma_start3A_226 = arith.constant 17600 : i32
    %dma_start3A_227 = tpu.memref_slice %arg5[%dma_start3A_226] : memref<25600xi32, #tpu.memory_space<vmem>> -> memref<1600xi32, #tpu.memory_space<vmem>>
    %dma_start3A_228 = arith.constant 0 : i32
    %dma_start3A_229 = arith.constant 0 : i32
    %dma_start3A_230 = tpu.memref_slice %arg3[%dma_start3A_228, %dma_start3A_229] : memref<1000000x32xf32, #tpu.memory_space<hbm>> -> memref<1000000x32xf32, #tpu.memory_space<hbm>>
    tpu.enqueue_indirect_dma source(%dma_start3A_230 : memref<1000000x32xf32, #tpu.memory_space<hbm>>) target(%arg7 : memref<1600x32xf32, #tpu.memory_space<vmem>>) offsets(%dma_start3A_227 : memref<1600xi32, #tpu.memory_space<vmem>>) semaphore(%arg9 : memref<!tpu.dma_semaphore, #tpu.memory_space<semaphore_mem>>)
    %dma_wait3A_231 = arith.constant 16000 : i32
    %dma_wait3A_232 = tpu.memref_slice %arg5[%dma_wait3A_231] : memref<25600xi32, #tpu.memory_space<vmem>> -> memref<1600xi32, #tpu.memory_space<vmem>>
    %dma_wait3A_233 = arith.constant 0 : i32
    %dma_wait3A_234 = arith.constant 0 : i32
    %dma_wait3A_235 = tpu.memref_slice %arg3[%dma_wait3A_233, %dma_wait3A_234] : memref<1000000x32xf32, #tpu.memory_space<hbm>> -> memref<1000000x32xf32, #tpu.memory_space<hbm>>
    tpu.wait_indirect_dma semaphore(%arg8 : memref<!tpu.dma_semaphore, #tpu.memory_space<semaphore_mem>>) src(%dma_wait3A_235 : memref<1000000x32xf32, #tpu.memory_space<hbm>>) dst(%arg6 : memref<1600x32xf32, #tpu.memory_space<vmem>>)
    %add3A_236 = arith.constant 16000 : i32
    %add3A_237 = arith.addi %mul3A_2, %add3A_236 : i32
    %dma_start3A_238 = arith.constant 0 : i32
    %dma_start3A_239 = tpu.memref_slice %arg4[%add3A_237, %dma_start3A_238] : memref<819200x32xf32, #tpu.memory_space<hbm>> -> memref<1600x32xf32, #tpu.memory_space<hbm>>
    %dma_start3A_240 = arith.constant 0 : i32
    %dma_start3A_241 = tpu.memref_slice %arg4[%add3A_237, %dma_start3A_240] : memref<819200x32xf32, #tpu.memory_space<hbm>> -> memref<1600x32xf32, #tpu.memory_space<hbm>>
    tpu.enqueue_dma source(%arg6 : memref<1600x32xf32, #tpu.memory_space<vmem>>) target(%dma_start3A_241 : memref<1600x32xf32, #tpu.memory_space<hbm>>) target_semaphore(%arg10 : memref<!tpu.dma_semaphore, #tpu.memory_space<semaphore_mem>>)
    %add3A_242 = arith.constant 16000 : i32
    %add3A_243 = arith.addi %mul3A_2, %add3A_242 : i32
    %dma_wait3A_244 = arith.constant 0 : i32
    %dma_wait3A_245 = tpu.memref_slice %arg4[%add3A_243, %dma_wait3A_244] : memref<819200x32xf32, #tpu.memory_space<hbm>> -> memref<1600x32xf32, #tpu.memory_space<hbm>>
    %dma_wait3A_246 = arith.constant 0 : i32
    %dma_wait3A_247 = tpu.memref_slice %arg4[%add3A_243, %dma_wait3A_246] : memref<819200x32xf32, #tpu.memory_space<hbm>> -> memref<1600x32xf32, #tpu.memory_space<hbm>>
    tpu.wait_dma2 semaphore(%arg10 : memref<!tpu.dma_semaphore, #tpu.memory_space<semaphore_mem>>) src(%arg6 : memref<1600x32xf32, #tpu.memory_space<vmem>>) dst(%dma_wait3A_247 : memref<1600x32xf32, #tpu.memory_space<hbm>>)
    %dma_start3A_248 = arith.constant 19200 : i32
    %dma_start3A_249 = tpu.memref_slice %arg5[%dma_start3A_248] : memref<25600xi32, #tpu.memory_space<vmem>> -> memref<1600xi32, #tpu.memory_space<vmem>>
    %dma_start3A_250 = arith.constant 0 : i32
    %dma_start3A_251 = arith.constant 0 : i32
    %dma_start3A_252 = tpu.memref_slice %arg3[%dma_start3A_250, %dma_start3A_251] : memref<1000000x32xf32, #tpu.memory_space<hbm>> -> memref<1000000x32xf32, #tpu.memory_space<hbm>>
    tpu.enqueue_indirect_dma source(%dma_start3A_252 : memref<1000000x32xf32, #tpu.memory_space<hbm>>) target(%arg6 : memref<1600x32xf32, #tpu.memory_space<vmem>>) offsets(%dma_start3A_249 : memref<1600xi32, #tpu.memory_space<vmem>>) semaphore(%arg8 : memref<!tpu.dma_semaphore, #tpu.memory_space<semaphore_mem>>)
    %dma_wait3A_253 = arith.constant 17600 : i32
    %dma_wait3A_254 = tpu.memref_slice %arg5[%dma_wait3A_253] : memref<25600xi32, #tpu.memory_space<vmem>> -> memref<1600xi32, #tpu.memory_space<vmem>>
    %dma_wait3A_255 = arith.constant 0 : i32
    %dma_wait3A_256 = arith.constant 0 : i32
    %dma_wait3A_257 = tpu.memref_slice %arg3[%dma_wait3A_255, %dma_wait3A_256] : memref<1000000x32xf32, #tpu.memory_space<hbm>> -> memref<1000000x32xf32, #tpu.memory_space<hbm>>
    tpu.wait_indirect_dma semaphore(%arg9 : memref<!tpu.dma_semaphore, #tpu.memory_space<semaphore_mem>>) src(%dma_wait3A_257 : memref<1000000x32xf32, #tpu.memory_space<hbm>>) dst(%arg7 : memref<1600x32xf32, #tpu.memory_space<vmem>>)
    %add3A_258 = arith.constant 17600 : i32
    %add3A_259 = arith.addi %mul3A_2, %add3A_258 : i32
    %dma_start3A_260 = arith.constant 0 : i32
    %dma_start3A_261 = tpu.memref_slice %arg4[%add3A_259, %dma_start3A_260] : memref<819200x32xf32, #tpu.memory_space<hbm>> -> memref<1600x32xf32, #tpu.memory_space<hbm>>
    %dma_start3A_262 = arith.constant 0 : i32
    %dma_start3A_263 = tpu.memref_slice %arg4[%add3A_259, %dma_start3A_262] : memref<819200x32xf32, #tpu.memory_space<hbm>> -> memref<1600x32xf32, #tpu.memory_space<hbm>>
    tpu.enqueue_dma source(%arg7 : memref<1600x32xf32, #tpu.memory_space<vmem>>) target(%dma_start3A_263 : memref<1600x32xf32, #tpu.memory_space<hbm>>) target_semaphore(%arg11 : memref<!tpu.dma_semaphore, #tpu.memory_space<semaphore_mem>>)
    %add3A_264 = arith.constant 17600 : i32
    %add3A_265 = arith.addi %mul3A_2, %add3A_264 : i32
    %dma_wait3A_266 = arith.constant 0 : i32
    %dma_wait3A_267 = tpu.memref_slice %arg4[%add3A_265, %dma_wait3A_266] : memref<819200x32xf32, #tpu.memory_space<hbm>> -> memref<1600x32xf32, #tpu.memory_space<hbm>>
    %dma_wait3A_268 = arith.constant 0 : i32
    %dma_wait3A_269 = tpu.memref_slice %arg4[%add3A_265, %dma_wait3A_268] : memref<819200x32xf32, #tpu.memory_space<hbm>> -> memref<1600x32xf32, #tpu.memory_space<hbm>>
    tpu.wait_dma2 semaphore(%arg11 : memref<!tpu.dma_semaphore, #tpu.memory_space<semaphore_mem>>) src(%arg7 : memref<1600x32xf32, #tpu.memory_space<vmem>>) dst(%dma_wait3A_269 : memref<1600x32xf32, #tpu.memory_space<hbm>>)
    %dma_start3A_270 = arith.constant 20800 : i32
    %dma_start3A_271 = tpu.memref_slice %arg5[%dma_start3A_270] : memref<25600xi32, #tpu.memory_space<vmem>> -> memref<1600xi32, #tpu.memory_space<vmem>>
    %dma_start3A_272 = arith.constant 0 : i32
    %dma_start3A_273 = arith.constant 0 : i32
    %dma_start3A_274 = tpu.memref_slice %arg3[%dma_start3A_272, %dma_start3A_273] : memref<1000000x32xf32, #tpu.memory_space<hbm>> -> memref<1000000x32xf32, #tpu.memory_space<hbm>>
    tpu.enqueue_indirect_dma source(%dma_start3A_274 : memref<1000000x32xf32, #tpu.memory_space<hbm>>) target(%arg7 : memref<1600x32xf32, #tpu.memory_space<vmem>>) offsets(%dma_start3A_271 : memref<1600xi32, #tpu.memory_space<vmem>>) semaphore(%arg9 : memref<!tpu.dma_semaphore, #tpu.memory_space<semaphore_mem>>)
    %dma_wait3A_275 = arith.constant 19200 : i32
    %dma_wait3A_276 = tpu.memref_slice %arg5[%dma_wait3A_275] : memref<25600xi32, #tpu.memory_space<vmem>> -> memref<1600xi32, #tpu.memory_space<vmem>>
    %dma_wait3A_277 = arith.constant 0 : i32
    %dma_wait3A_278 = arith.constant 0 : i32
    %dma_wait3A_279 = tpu.memref_slice %arg3[%dma_wait3A_277, %dma_wait3A_278] : memref<1000000x32xf32, #tpu.memory_space<hbm>> -> memref<1000000x32xf32, #tpu.memory_space<hbm>>
    tpu.wait_indirect_dma semaphore(%arg8 : memref<!tpu.dma_semaphore, #tpu.memory_space<semaphore_mem>>) src(%dma_wait3A_279 : memref<1000000x32xf32, #tpu.memory_space<hbm>>) dst(%arg6 : memref<1600x32xf32, #tpu.memory_space<vmem>>)
    %add3A_280 = arith.constant 19200 : i32
    %add3A_281 = arith.addi %mul3A_2, %add3A_280 : i32
    %dma_start3A_282 = arith.constant 0 : i32
    %dma_start3A_283 = tpu.memref_slice %arg4[%add3A_281, %dma_start3A_282] : memref<819200x32xf32, #tpu.memory_space<hbm>> -> memref<1600x32xf32, #tpu.memory_space<hbm>>
    %dma_start3A_284 = arith.constant 0 : i32
    %dma_start3A_285 = tpu.memref_slice %arg4[%add3A_281, %dma_start3A_284] : memref<819200x32xf32, #tpu.memory_space<hbm>> -> memref<1600x32xf32, #tpu.memory_space<hbm>>
    tpu.enqueue_dma source(%arg6 : memref<1600x32xf32, #tpu.memory_space<vmem>>) target(%dma_start3A_285 : memref<1600x32xf32, #tpu.memory_space<hbm>>) target_semaphore(%arg10 : memref<!tpu.dma_semaphore, #tpu.memory_space<semaphore_mem>>)
    %add3A_286 = arith.constant 19200 : i32
    %add3A_287 = arith.addi %mul3A_2, %add3A_286 : i32
    %dma_wait3A_288 = arith.constant 0 : i32
    %dma_wait3A_289 = tpu.memref_slice %arg4[%add3A_287, %dma_wait3A_288] : memref<819200x32xf32, #tpu.memory_space<hbm>> -> memref<1600x32xf32, #tpu.memory_space<hbm>>
    %dma_wait3A_290 = arith.constant 0 : i32
    %dma_wait3A_291 = tpu.memref_slice %arg4[%add3A_287, %dma_wait3A_290] : memref<819200x32xf32, #tpu.memory_space<hbm>> -> memref<1600x32xf32, #tpu.memory_space<hbm>>
    tpu.wait_dma2 semaphore(%arg10 : memref<!tpu.dma_semaphore, #tpu.memory_space<semaphore_mem>>) src(%arg6 : memref<1600x32xf32, #tpu.memory_space<vmem>>) dst(%dma_wait3A_291 : memref<1600x32xf32, #tpu.memory_space<hbm>>)
    %dma_start3A_292 = arith.constant 22400 : i32
    %dma_start3A_293 = tpu.memref_slice %arg5[%dma_start3A_292] : memref<25600xi32, #tpu.memory_space<vmem>> -> memref<1600xi32, #tpu.memory_space<vmem>>
    %dma_start3A_294 = arith.constant 0 : i32
    %dma_start3A_295 = arith.constant 0 : i32
    %dma_start3A_296 = tpu.memref_slice %arg3[%dma_start3A_294, %dma_start3A_295] : memref<1000000x32xf32, #tpu.memory_space<hbm>> -> memref<1000000x32xf32, #tpu.memory_space<hbm>>
    tpu.enqueue_indirect_dma source(%dma_start3A_296 : memref<1000000x32xf32, #tpu.memory_space<hbm>>) target(%arg6 : memref<1600x32xf32, #tpu.memory_space<vmem>>) offsets(%dma_start3A_293 : memref<1600xi32, #tpu.memory_space<vmem>>) semaphore(%arg8 : memref<!tpu.dma_semaphore, #tpu.memory_space<semaphore_mem>>)
    %dma_wait3A_297 = arith.constant 20800 : i32
    %dma_wait3A_298 = tpu.memref_slice %arg5[%dma_wait3A_297] : memref<25600xi32, #tpu.memory_space<vmem>> -> memref<1600xi32, #tpu.memory_space<vmem>>
    %dma_wait3A_299 = arith.constant 0 : i32
    %dma_wait3A_300 = arith.constant 0 : i32
    %dma_wait3A_301 = tpu.memref_slice %arg3[%dma_wait3A_299, %dma_wait3A_300] : memref<1000000x32xf32, #tpu.memory_space<hbm>> -> memref<1000000x32xf32, #tpu.memory_space<hbm>>
    tpu.wait_indirect_dma semaphore(%arg9 : memref<!tpu.dma_semaphore, #tpu.memory_space<semaphore_mem>>) src(%dma_wait3A_301 : memref<1000000x32xf32, #tpu.memory_space<hbm>>) dst(%arg7 : memref<1600x32xf32, #tpu.memory_space<vmem>>)
    %add3A_302 = arith.constant 20800 : i32
    %add3A_303 = arith.addi %mul3A_2, %add3A_302 : i32
    %dma_start3A_304 = arith.constant 0 : i32
    %dma_start3A_305 = tpu.memref_slice %arg4[%add3A_303, %dma_start3A_304] : memref<819200x32xf32, #tpu.memory_space<hbm>> -> memref<1600x32xf32, #tpu.memory_space<hbm>>
    %dma_start3A_306 = arith.constant 0 : i32
    %dma_start3A_307 = tpu.memref_slice %arg4[%add3A_303, %dma_start3A_306] : memref<819200x32xf32, #tpu.memory_space<hbm>> -> memref<1600x32xf32, #tpu.memory_space<hbm>>
    tpu.enqueue_dma source(%arg7 : memref<1600x32xf32, #tpu.memory_space<vmem>>) target(%dma_start3A_307 : memref<1600x32xf32, #tpu.memory_space<hbm>>) target_semaphore(%arg11 : memref<!tpu.dma_semaphore, #tpu.memory_space<semaphore_mem>>)
    %add3A_308 = arith.constant 20800 : i32
    %add3A_309 = arith.addi %mul3A_2, %add3A_308 : i32
    %dma_wait3A_310 = arith.constant 0 : i32
    %dma_wait3A_311 = tpu.memref_slice %arg4[%add3A_309, %dma_wait3A_310] : memref<819200x32xf32, #tpu.memory_space<hbm>> -> memref<1600x32xf32, #tpu.memory_space<hbm>>
    %dma_wait3A_312 = arith.constant 0 : i32
    %dma_wait3A_313 = tpu.memref_slice %arg4[%add3A_309, %dma_wait3A_312] : memref<819200x32xf32, #tpu.memory_space<hbm>> -> memref<1600x32xf32, #tpu.memory_space<hbm>>
    tpu.wait_dma2 semaphore(%arg11 : memref<!tpu.dma_semaphore, #tpu.memory_space<semaphore_mem>>) src(%arg7 : memref<1600x32xf32, #tpu.memory_space<vmem>>) dst(%dma_wait3A_313 : memref<1600x32xf32, #tpu.memory_space<hbm>>)
    %dma_start3A_314 = arith.constant 24000 : i32
    %dma_start3A_315 = tpu.memref_slice %arg5[%dma_start3A_314] : memref<25600xi32, #tpu.memory_space<vmem>> -> memref<1600xi32, #tpu.memory_space<vmem>>
    %dma_start3A_316 = arith.constant 0 : i32
    %dma_start3A_317 = arith.constant 0 : i32
    %dma_start3A_318 = tpu.memref_slice %arg3[%dma_start3A_316, %dma_start3A_317] : memref<1000000x32xf32, #tpu.memory_space<hbm>> -> memref<1000000x32xf32, #tpu.memory_space<hbm>>
    tpu.enqueue_indirect_dma source(%dma_start3A_318 : memref<1000000x32xf32, #tpu.memory_space<hbm>>) target(%arg7 : memref<1600x32xf32, #tpu.memory_space<vmem>>) offsets(%dma_start3A_315 : memref<1600xi32, #tpu.memory_space<vmem>>) semaphore(%arg9 : memref<!tpu.dma_semaphore, #tpu.memory_space<semaphore_mem>>)
    %dma_wait3A_319 = arith.constant 22400 : i32
    %dma_wait3A_320 = tpu.memref_slice %arg5[%dma_wait3A_319] : memref<25600xi32, #tpu.memory_space<vmem>> -> memref<1600xi32, #tpu.memory_space<vmem>>
    %dma_wait3A_321 = arith.constant 0 : i32
    %dma_wait3A_322 = arith.constant 0 : i32
    %dma_wait3A_323 = tpu.memref_slice %arg3[%dma_wait3A_321, %dma_wait3A_322] : memref<1000000x32xf32, #tpu.memory_space<hbm>> -> memref<1000000x32xf32, #tpu.memory_space<hbm>>
    tpu.wait_indirect_dma semaphore(%arg8 : memref<!tpu.dma_semaphore, #tpu.memory_space<semaphore_mem>>) src(%dma_wait3A_323 : memref<1000000x32xf32, #tpu.memory_space<hbm>>) dst(%arg6 : memref<1600x32xf32, #tpu.memory_space<vmem>>)
    %add3A_324 = arith.constant 22400 : i32
    %add3A_325 = arith.addi %mul3A_2, %add3A_324 : i32
    %dma_start3A_326 = arith.constant 0 : i32
    %dma_start3A_327 = tpu.memref_slice %arg4[%add3A_325, %dma_start3A_326] : memref<819200x32xf32, #tpu.memory_space<hbm>> -> memref<1600x32xf32, #tpu.memory_space<hbm>>
    %dma_start3A_328 = arith.constant 0 : i32
    %dma_start3A_329 = tpu.memref_slice %arg4[%add3A_325, %dma_start3A_328] : memref<819200x32xf32, #tpu.memory_space<hbm>> -> memref<1600x32xf32, #tpu.memory_space<hbm>>
    tpu.enqueue_dma source(%arg6 : memref<1600x32xf32, #tpu.memory_space<vmem>>) target(%dma_start3A_329 : memref<1600x32xf32, #tpu.memory_space<hbm>>) target_semaphore(%arg10 : memref<!tpu.dma_semaphore, #tpu.memory_space<semaphore_mem>>)
    %dma_wait3A_330 = arith.constant 24000 : i32
    %dma_wait3A_331 = tpu.memref_slice %arg5[%dma_wait3A_330] : memref<25600xi32, #tpu.memory_space<vmem>> -> memref<1600xi32, #tpu.memory_space<vmem>>
    %dma_wait3A_332 = arith.constant 0 : i32
    %dma_wait3A_333 = arith.constant 0 : i32
    %dma_wait3A_334 = tpu.memref_slice %arg3[%dma_wait3A_332, %dma_wait3A_333] : memref<1000000x32xf32, #tpu.memory_space<hbm>> -> memref<1000000x32xf32, #tpu.memory_space<hbm>>
    tpu.wait_indirect_dma semaphore(%arg9 : memref<!tpu.dma_semaphore, #tpu.memory_space<semaphore_mem>>) src(%dma_wait3A_334 : memref<1000000x32xf32, #tpu.memory_space<hbm>>) dst(%arg7 : memref<1600x32xf32, #tpu.memory_space<vmem>>)
    %add3A_335 = arith.constant 24000 : i32
    %add3A_336 = arith.addi %mul3A_2, %add3A_335 : i32
    %dma_start3A_337 = arith.constant 0 : i32
    %dma_start3A_338 = tpu.memref_slice %arg4[%add3A_336, %dma_start3A_337] : memref<819200x32xf32, #tpu.memory_space<hbm>> -> memref<1600x32xf32, #tpu.memory_space<hbm>>
    %dma_start3A_339 = arith.constant 0 : i32
    %dma_start3A_340 = tpu.memref_slice %arg4[%add3A_336, %dma_start3A_339] : memref<819200x32xf32, #tpu.memory_space<hbm>> -> memref<1600x32xf32, #tpu.memory_space<hbm>>
    tpu.enqueue_dma source(%arg7 : memref<1600x32xf32, #tpu.memory_space<vmem>>) target(%dma_start3A_340 : memref<1600x32xf32, #tpu.memory_space<hbm>>) target_semaphore(%arg11 : memref<!tpu.dma_semaphore, #tpu.memory_space<semaphore_mem>>)
    %add3A_341 = arith.constant 22400 : i32
    %add3A_342 = arith.addi %mul3A_2, %add3A_341 : i32
    %dma_wait3A_343 = arith.constant 0 : i32
    %dma_wait3A_344 = tpu.memref_slice %arg4[%add3A_342, %dma_wait3A_343] : memref<819200x32xf32, #tpu.memory_space<hbm>> -> memref<1600x32xf32, #tpu.memory_space<hbm>>
    %dma_wait3A_345 = arith.constant 0 : i32
    %dma_wait3A_346 = tpu.memref_slice %arg4[%add3A_342, %dma_wait3A_345] : memref<819200x32xf32, #tpu.memory_space<hbm>> -> memref<1600x32xf32, #tpu.memory_space<hbm>>
    tpu.wait_dma2 semaphore(%arg10 : memref<!tpu.dma_semaphore, #tpu.memory_space<semaphore_mem>>) src(%arg6 : memref<1600x32xf32, #tpu.memory_space<vmem>>) dst(%dma_wait3A_346 : memref<1600x32xf32, #tpu.memory_space<hbm>>)
    %add3A_347 = arith.constant 24000 : i32
    %add3A_348 = arith.addi %mul3A_2, %add3A_347 : i32
    %dma_wait3A_349 = arith.constant 0 : i32
    %dma_wait3A_350 = tpu.memref_slice %arg4[%add3A_348, %dma_wait3A_349] : memref<819200x32xf32, #tpu.memory_space<hbm>> -> memref<1600x32xf32, #tpu.memory_space<hbm>>
    %dma_wait3A_351 = arith.constant 0 : i32
    %dma_wait3A_352 = tpu.memref_slice %arg4[%add3A_348, %dma_wait3A_351] : memref<819200x32xf32, #tpu.memory_space<hbm>> -> memref<1600x32xf32, #tpu.memory_space<hbm>>
    tpu.wait_dma2 semaphore(%arg11 : memref<!tpu.dma_semaphore, #tpu.memory_space<semaphore_mem>>) src(%arg7 : memref<1600x32xf32, #tpu.memory_space<vmem>>) dst(%dma_wait3A_352 : memref<1600x32xf32, #tpu.memory_space<hbm>>)
    return
  }
}

</mosaic_0001>

<sc_bundles>
// kernel: kernel.3.cloned.1.call-start
scs
__scs_entry_jumppad:
0x0: {  	(pc) =	sbr.rel $0x88, $3  }
0x1: {  	(tag) =	ssettag $0x0;
	lr =	simm.s32 $0x1  }
0x2: {  	[smem:$0x3F9F] =	sst lr;
	_ =	strace $0xD0000000  }
0x3: {  	_ = 	snop  }
0x4: {  	_ = 	snop  }
0x5: {  	_ = 	snop  }
0x6: {  	_ = 	snop  }
0x7: {  	_ = 	snop  }
__scs_overlays_trampoline_lowered:
0x8: {  	[smem:$0x3FAE] =	sst s0  }
0x9: {  	[smem:$0x3FAF] =	sst s1  }
0xa: {  	[smem:$0x3FB0] =	sst s2  }
0xb: {  	[smem:$0x3FB1] =	sst s3  }
0xc: {  	[smem:$0x3FB2] =	sst s4  }
0xd: {  	[smem:$0x3FB3] =	sst s5  }
0xe: {  	[smem:$0x3FB4] =	sst s6  }
0xf: {  	[smem:$0x3FB5] =	sst s7  }
0x10: {  	[smem:$0x3FB6] =	sst s8  }
0x11: {  	[smem:$0x3FB7] =	sst s9;
	s0 =	simm.s32 @!p0 $0x0  }
0x12: {  	s1 =	sld [smem:$0x3F9D];
	s0 =	simm.s32 @p0 $0x1  }
0x13: {  	[smem:$0x3FB8] =	sst s0;
	s0 =	simm.s32 @!p1 $0x0  }
0x14: {  	s2 =	sld [smem:$0x3F9C];
	s0 =	simm.s32 @p1 $0x1  }
0x15: {  	[smem:$0x3FB9] =	sst s0;
	s0 =	simm.s32 @!p2 $0x0  }
0x16: {  	s3 =	sld [smem:$0x3FDB];
	s0 =	simm.s32 @p2 $0x1  }
0x17: {  	s4 =	simm.s32 $0x1BF5;
	[smem:$0x3FBB] =	sst s0  }
0x18: {  	s0 =	sld [smem:$0x3F9E];
	_ =	swait.ge [sflag:s4], $0x0  }
0x19: {  	s7 =	sld [smem:$0x3F9F]  }
0x1a: {  	s8 =	sadd.s32 $0xFFFFE003, lr  }
0x1b: {  	s9 =	sadd.s32 $0xFFFFFEF7, lr;
	s5 =	simm.s32 $0xFFFFFFFF;
	p2 =	slt.u32 s8, $0xFFFFF086  }
0x1c: {  	p1 =	slt.u32 s9, $0xF7A;
	s5 =	simm.s32 @!p2 $0x0  }
0x1d: {  	s5 =	simm.s32 @p1 $0x1;
	p0 =	seq.s32 s7, s2  }
0x1e: {  	s7 =	smul.u32 @!p0 $0xF7A, s2;
	p2 =	seq.s32 @!p0 s5, $0x0  }
0x1f: {  	s9 =	smul.u32 $0xF7A, s1;
	s8 =	simm.s32 @!p0 $0x1BF5;
	p2 =	por !p2, p0  }
0x20: {  	[sflag:s8] =	ssyncset.s32 @!p0 $0xFFFFF086;
	s6 =	sadd.s32 @!p0 s3, s7;
	s7 =	simm.s32 @!p0 $0x108  }
0x21: {  	s3 =	sadd.s32 s3, s9;
	s6 =	sadd.s32 @!p0 $0x88, s6;
	s7 =	simm.s32 @p2 $0x1082  }
0x22: {  	[simem:s7], [sflag:s8] =	dma.local @!p0 [hbm:s6], $0xF7A  }
0x23: {  	s9 =	sor.u32 $0xD0000000, s2;
	s6 =	simm.s32 $0x108;
	_ =	swait.ge @!p0 [sflag:s8], $0x0  }
0x24: {  	s3 =	sadd.s32 $0x88, s3;
	s6 =	simm.s32 @!p1 $0x1082;
	[sflag:s4] =	ssyncset.s32 $0xFFFFF086  }
0x25: {  	[simem:s6], [sflag:s4] =	dma.local [hbm:s3], $0xF7A  }
0x26: {  	[smem:$0x3F9F] =	sst s1;
	(tag) =	ssettag s2;
	_ =	strace s9  }
0x27: {  	s1 =	sld [smem:$0x3FAF]  }
0x28: {  	s2 =	sld [smem:$0x3FB0]  }
0x29: {  	s4 =	sld [smem:$0x3FB2]  }
0x2a: {  	p0 =	seq.s32 s5, $0x0;
	s5 =	sld [smem:$0x3FB3]  }
0x2b: {  	s6 =	sld [smem:$0x3FB4]  }
0x2c: {  	s7 =	sld [smem:$0x3FB5]  }
0x2d: {  	s3 =	simm.s32 $0x108;
	s8 =	sld [smem:$0x3FB6]  }
0x2e: {  	s3 =	simm.s32 @!p0 $0x1082;
	s9 =	sld [smem:$0x3FB7]  }
0x2f: {  	lr =	sadd.s32 s0, s3;
	s0 =	sld [smem:$0x3FAE]  }
0x30: {  	s3 =	sld [smem:$0x3FB1]  }
0x31: {  	[smem:$0x3FBA] =	sst s10  }
0x32: {  	s10 =	sld [smem:$0x3FB8];
	_ =	sdelay $0x3  }
0x33: {  	p0 =	seq.s32 s10, $0x1;
	s10 =	sld [smem:$0x3FBA];
	_ =	sdelay $0x3  }
0x34: {  	[smem:$0x3FBA] =	sst s10  }
0x35: {  	s10 =	sld [smem:$0x3FB9];
	_ =	sdelay $0x3  }
0x36: {  	p1 =	seq.s32 s10, $0x1;
	s10 =	sld [smem:$0x3FBA];
	_ =	sdelay $0x3  }
0x37: {  	[smem:$0x3FBA] =	sst s10  }
0x38: {  	s10 =	sld [smem:$0x3FBB]  }
0x39: {  	_ = 	snop;
	(pc) =	sbr.ind lr, $3  }
0x3a: {  	_ = 	snop  }
0x3b: {  	_ = 	snop  }
0x3c: {  	p2 =	seq.s32 s10, $0x1;
	s10 =	sld [smem:$0x3FBA]  }
0x3d: {  	_ =	shalt  }
0x3e: {  	_ =	shalt  }
0x3f: {  	_ =	shalt  }
0x40: {  	_ =	shalt  }
0x41: {  	_ =	shalt  }
0x42: {  	_ =	shalt  }
0x43: {  	_ =	shalt  }
0x44: {  	_ =	shalt  }
0x45: {  	_ =	shalt  }
0x46: {  	_ =	shalt  }
0x47: {  	_ =	shalt  }
0x48: {  	_ =	shalt  }
0x49: {  	_ =	shalt  }
0x4a: {  	_ =	shalt  }
0x4b: {  	_ =	shalt  }
0x4c: {  	_ =	shalt  }
0x4d: {  	_ =	shalt  }
0x4e: {  	_ =	shalt  }
0x4f: {  	_ =	shalt  }
0x50: {  	_ =	shalt  }
0x51: {  	_ =	shalt  }
0x52: {  	_ =	shalt  }
0x53: {  	_ =	shalt  }
0x54: {  	_ =	shalt  }
0x55: {  	_ =	shalt  }
0x56: {  	_ =	shalt  }
0x57: {  	_ =	shalt  }
0x58: {  	_ =	shalt  }
0x59: {  	_ =	shalt  }
0x5a: {  	_ =	shalt  }
0x5b: {  	_ =	shalt  }
0x5c: {  	_ =	shalt  }
0x5d: {  	_ =	shalt  }
0x5e: {  	_ =	shalt  }
0x5f: {  	_ =	shalt  }
0x60: {  	_ =	shalt  }
0x61: {  	_ =	shalt  }
0x62: {  	_ =	shalt  }
0x63: {  	_ =	shalt  }
0x64: {  	_ =	shalt  }
0x65: {  	_ =	shalt  }
0x66: {  	_ =	shalt  }
0x67: {  	_ =	shalt  }
0x68: {  	_ =	shalt  }
0x69: {  	_ =	shalt  }
0x6a: {  	_ =	shalt  }
0x6b: {  	_ =	shalt  }
0x6c: {  	_ =	shalt  }
0x6d: {  	_ =	shalt  }
0x6e: {  	_ =	shalt  }
0x6f: {  	_ =	shalt  }
0x70: {  	_ =	shalt  }
0x71: {  	_ =	shalt  }
0x72: {  	_ =	shalt  }
0x73: {  	_ =	shalt  }
0x74: {  	_ =	shalt  }
0x75: {  	_ =	shalt  }
0x76: {  	_ =	shalt  }
0x77: {  	_ =	shalt  }
0x78: {  	_ =	shalt  }
0x79: {  	_ =	shalt  }
0x7a: {  	_ =	shalt  }
0x7b: {  	_ =	shalt  }
0x7c: {  	_ =	shalt  }
0x7d: {  	_ =	shalt  }
0x7e: {  	_ =	shalt  }
0x7f: {  	_ =	shalt  }
0x80: {  	_ =	shalt  }
0x81: {  	_ =	shalt  }
0x82: {  	_ =	shalt  }
0x83: {  	_ =	shalt  }
0x84: {  	_ =	shalt  }
0x85: {  	_ =	shalt  }
0x86: {  	_ =	shalt  }
0x87: {  	_ =	shalt  }
.Lfunc_end0:
.L_simem_size_0:
called_computation.2_lowered:
.L_overlay_start_0:
0x88: {  	s2 =	sld [smem:$0x3FD9]  }
0x89: {  	s3 =	sld [smem:$0x3FFE];
	_ =	sdelay $0x1  }
0x8a: {  	s1 =	srdreg.scid  }
0x8b: {  	s0 =	sand.u32 $0x1, s1  }
0x8c: {  	s17 =	sshll.u32 s0, $0xA;
	s2 =	sadd.s32 s3, s2  }
0x8d: {  	s2 =	sadd.s32 s2, s17  }
0x8e: {  	[smem:$0x3FC6] =	sst s2  }
0x8f: {  	_ = 	snop  }
0x90: {  	s2 =	sld [smem:$0x3FD0];
	(tm) =	ssettm $0x1  }
0x91: {  	s18 =	sld [smem:$0x3FFB];
	_ =	sdelay $0x3  }
0x92: {  	_ =	strace s18  }
0x93: {  	s3 =	sld [smem:$0x3FFC];
	_ =	sdelay $0x3  }
0x94: {  	_ =	strace s3  }
0x95: {  	s3 =	sld [smem:$0x3FFD];
	_ =	sdelay $0x3  }
0x96: {  	_ =	strace s3  }
0x97: {  	_ =	strace $0x8FFFFFFF  }
0x98: {  	s19 =	sld [smem:$0x3FDB];
	_ =	sdelay $0x1  }
0x99: {  	s4 =	simm.s32 $_scs_section_size  }
0x9a: {  	s5 =	simm.s32 $_size__tile_overlayer_lowered;
	s6 =	simm.s32 $_tile_overlayer_lowered  }
0x9b: {  	s22 =	simm.s32 $0x1BFF;
	s21 =	sshll.u32 s6, $0x1;
	s3 =	sadd.s32 s4, s19  }
0x9c: {  	s7 =	simm.s32 $0x0;
	s20 =	sshll.u32 s5, $0x1;
	s5 =	sadd.s32 s21, s3  }
0x9d: {  	[timem:s7], [sflag:s22] =	dma.local [hbm:s5], s20  }
0x9e: {  	_ =	swait.ge [sflag:s22], s20  }
0x9f: {  	s4 =	ssub.s32 $0x0, s20;
	[sflag:s22] =	ssyncset.done $0x0  }
0xa0: {  	[sflag:s22] =	ssyncadd.s32 s4;
	_ =	sdelay $0x1  }
0xa1: {  	s23 =	simm.s32 $0x1B8B  }
0xa2: {  	_ =	swait.ge [sflag:s23], $0x1  }
0xa3: {  	[sflag:s23] =	ssyncset.done $0x0  }
0xa4: {  	s25 =	simm.s32 $0x1B8E;
	s24 =	sld [smem:$0x3FFE];
	[sflag:s23] =	ssyncadd.s32 $0xFFFFFFFF  }
0xa5: {  	s26 =	simm.s32 $execute0_lowered;
	[smem:$0x3FD2] =	sst s25  }
0xa6: {  	s5 =	sshll.u32 s26, $0x1;
	_ =	strace $0x80000046;
	[dreg:$0x1] =	wrdreg $0xFFFFFFFF  }
0xa7: {  	s28 =	simm.s32 $_size_execute0_lowered;
	s3 =	sadd.s32 s3, s5;
	[dreg:$0x0] =	wrdreg $0x0  }
0xa8: {  	s5 =	sshll.u32 s28, $0x1;
	[dreg:$0x2] =	wrdreg s3  }
0xa9: {  	[dreg:$0x3] =	wrdreg s5  }
0xaa: {  	[dreg:$0x4] =	wrdreg $0xC0  }
0xab: {  	_ =	task [dreg:s7], $0x5FFFF  }
0xac: {  	[dreg:$0x1] =	wrdreg $0xFFFFFFFF  }
0xad: {  	[dreg:$0x0] =	wrdreg $0x60  }
0xae: {  	[dreg:$0x2] =	wrdreg s2  }
0xaf: {  	[dreg:$0x3] =	wrdreg s24  }
0xb0: {  	[dreg:$0x4] =	wrdreg $0x9  }
0xb1: {  	_ =	task.clear_ibuf [dreg:s7], $0x5FFFF;
	_ =	strace $0x90000046  }
0xb2: {  	s29 =	simm.s32 $0x9;
	_ =	strace $0x80000048  }
0xb3: {  	_ =	swait.ge [sflag:s29], $0x1  }
0xb4: {  	[sflag:s29] =	ssyncadd.s32 $0xFFFFFFFF  }
0xb5: {  	_ =	strace $0x90000048  }
0xb6: {  	_ =	sfence  }
0xb7: {  	s30 =	sld [smem:$0x0];
	_ =	sdelay $0x2  }
0xb8: {  	s31 =	sshll.u32 s1, $0xD;
	s1 =	sshrl.u32 s1, $0x2  }
0xb9: {  	s3 =	sand.u32 $0x4000, s31;
	s1 =	sadd.s32 s1, s30  }
0xba: {  	s0 =	sor.u32 s3, s0;
	s1 =	sshll.u32 s1, $0x11  }
0xbb: {  	s0 =	sor.u32 s1, s0  }
0xbc: {  	s0 =	sadd.s32 $0x8F2B, s0  }
0xbd: {  	[sflag:s0] =	ssyncadd.remote.s32 $0x1  }
0xbe: {  	_ =	sfence.sel $0xFFFF  }
0xbf: {  	[dreg:$0x0] =	wrdreg $0xFFFFFFFF;
	(pc) =	sbr.abs _section_cstart, $3  }
0xc0: {  	[dreg:$0x1] =	wrdreg $0xFFFFFFFF  }
0xc1: {  	_ =	task.clear_ibuf [dreg:s7], $0x2FFFF;
	_ =	strace $0x9FFFFFFF  }
0xc2: {  	(tm) =	ssettm $0x7FFFFFFF  }
0xc3: {  	_ =	shalt  }
tec
execute0_lowered:
.L_overlay_start_1:
0x0: {  	(tag) =	ssettag $0x1  }
0x1: {  	s1 =	srdreg.scid;
	s0 =	stileid.u32  }
0x2: {  	s1 =	sand.u32 $0x1, s1;
	s2 =	sshll.u32 s0, $0x1  }
0x3: {  	s5 =	sor.u32 s1, s2  }
0x4: {  	s3 =	rddreg [dreg:$0x0];
	s6 =	smul.u32 $0xC80, s5  }
0x5: {  	s4 =	rddreg [dreg:$0x1];
	s2 =	simm.s32 $0x0;
	s7 =	smul.u32 $0xC8000, s5  }
0x6: {  	[smem:$0x7FF] =	sst s2;
	s5 =	smul.u32 $0x19000, s5  }
0x7: {  	s8 =	sadd.s32 $0xE00, s4;
	_ =	strace $0x80000047;
	s3 =	sadd.s32 s3, s6  }
0x8: {  	s14 =	sshrl.u32 s7, $0x3;
	s15 =	sadd.s32 s8, s5;
	[dreg:$0x3] =	wrdreg s3  }
0x9: {  	s31 =	sadd.s32 s8, s14;
	[dreg:$0x4] =	wrdreg s15  }
0xa: {  	s16 =	sadd.s32 $0x1900, s31;
	s25 =	rddreg [dreg:$0x3]  }
0xb: {  	s17 =	sadd.s32 $0x3200, s31;
	[dreg:$0x5] =	wrdreg s16  }
0xc: {  	s18 =	sadd.s32 $0x4B00, s31;
	[dreg:$0x6] =	wrdreg s17  }
0xd: {  	s19 =	sadd.s32 $0x6400, s31;
	[dreg:$0x7] =	wrdreg s18  }
0xe: {  	s20 =	sadd.s32 $0x7D00, s31;
	[dreg:$0x8] =	wrdreg s19  }
0xf: {  	s21 =	sadd.s32 $0x9600, s31;
	[dreg:$0x9] =	wrdreg s20  }
0x10: {  	s22 =	sadd.s32 $0xAF00, s31;
	[dreg:$0xa] =	wrdreg s21  }
0x11: {  	s23 =	sadd.s32 $0xC800, s31;
	[dreg:$0xb] =	wrdreg s22  }
0x12: {  	s24 =	sadd.s32 $0xE100, s31;
	[dreg:$0xc] =	wrdreg s23  }
0x13: {  	s26 =	sadd.s32 $0xFA00, s31;
	[dreg:$0xd] =	wrdreg s24  }
0x14: {  	s3 =	simm.s32 $0x5;
	[dreg:$0xe] =	wrdreg s26  }
0x15: {  	[tilespmem:s2], [sflag:$0x5] =	stream.linear.gather [hbm4b:s25+s2], $0x6400, $0x38;
	[tilespmem:$0x1F400] =	vst v63  }
0x16: {  	_ =	swait.ge [sflag:s3], $0x6400  }
0x17: {  	s4 =	sadd.s32 $0xF43200, s4;
	[sflag:s3] =	ssyncset.done $0x0  }
0x18: {  	s5 =	simm.s32 $0x640;
	s6 =	simm.s32 $0x6400;
	[sflag:s3] =	ssyncadd.s32 $0xFFFF9C00  }
0x19: {  	[tilespmem:s6], [sflag:$0x1] =	stream.indirect.gather [hbm4b:s4+s5], $0x20, s2, s5, $0xb8;
	[tilespmem:$0x1F400] =	vst v63  }
0x1a: {  	s7 =	simm.s32 $0x12C00;
	s8 =	simm.s32 $0x1  }
0x1b: {  	[tilespmem:s7], [sflag:$0x2] =	stream.indirect.gather [hbm4b:s4+s5], $0x20, s5, s5, $0xb8;
	[tilespmem:$0x1F400] =	vst v63  }
0x1c: {  	_ =	swait.ge [sflag:s8], $0xC800  }
0x1d: {  	[sflag:s8] =	ssyncset.done $0x0  }
0x1e: {  	s9 =	simm.s32 $0x3;
	s10 =	rddreg [dreg:$0x4];
	[sflag:s8] =	ssyncadd.s32 $0xFFFF3800  }
0x1f: {  	[hbm4b:s10+s2] =	stream.linear.scatter [tilespmem:s6], [sflag:$0x3], $0xC800, $0x38;
	[tilespmem:$0x1F400] =	vst v63  }
0x20: {  	_ =	swait.ge [sflag:s9], $0xC800  }
0x21: {  	[sflag:s9] =	ssyncset.done $0x0  }
0x22: {  	s11 =	simm.s32 $0x2;
	s10 =	simm.s32 $0xC80;
	[sflag:s9] =	ssyncadd.s32 $0xFFFF3800  }
0x23: {  	[tilespmem:s6], [sflag:$0x1] =	stream.indirect.gather [hbm4b:s4+s5], $0x20, s10, s5, $0xb8;
	[tilespmem:$0x1F400] =	vst v63  }
0x24: {  	_ =	swait.ge [sflag:s11], $0xC800  }
0x25: {  	[sflag:s11] =	ssyncset.done $0x0  }
0x26: {  	s12 =	simm.s32 $0x4;
	s13 =	rddreg [dreg:$0x5];
	[sflag:s11] =	ssyncadd.s32 $0xFFFF3800  }
0x27: {  	[hbm4b:s13+s2] =	stream.linear.scatter [tilespmem:s7], [sflag:$0x4], $0xC800, $0x38;
	[tilespmem:$0x1F400] =	vst v63  }
0x28: {  	_ =	swait.ge [sflag:s12], $0xC800  }
0x29: {  	[sflag:s12] =	ssyncset.done $0x0  }
0x2a: {  	s13 =	simm.s32 $0x12C0;
	[sflag:s12] =	ssyncadd.s32 $0xFFFF3800  }
0x2b: {  	[tilespmem:s7], [sflag:$0x2] =	stream.indirect.gather [hbm4b:s4+s5], $0x20, s13, s5, $0xb8;
	[tilespmem:$0x1F400] =	vst v63  }
0x2c: {  	_ =	swait.ge [sflag:s8], $0xC800  }
0x2d: {  	[sflag:s8] =	ssyncset.done $0x0  }
0x2e: {  	s14 =	rddreg [dreg:$0x6];
	[sflag:s8] =	ssyncadd.s32 $0xFFFF3800  }
0x2f: {  	[hbm4b:s14+s2] =	stream.linear.scatter [tilespmem:s6], [sflag:$0x3], $0xC800, $0x38;
	[tilespmem:$0x1F400] =	vst v63  }
0x30: {  	_ =	swait.ge [sflag:s9], $0xC800  }
0x31: {  	[sflag:s9] =	ssyncset.done $0x0  }
0x32: {  	s14 =	simm.s32 $0x1900;
	[sflag:s9] =	ssyncadd.s32 $0xFFFF3800  }
0x33: {  	[tilespmem:s6], [sflag:$0x1] =	stream.indirect.gather [hbm4b:s4+s5], $0x20, s14, s5, $0xb8;
	[tilespmem:$0x1F400] =	vst v63  }
0x34: {  	_ =	swait.ge [sflag:s11], $0xC800  }
0x35: {  	[sflag:s11] =	ssyncset.done $0x0  }
0x36: {  	s15 =	rddreg [dreg:$0x7];
	[sflag:s11] =	ssyncadd.s32 $0xFFFF3800  }
0x37: {  	[hbm4b:s15+s2] =	stream.linear.scatter [tilespmem:s7], [sflag:$0x4], $0xC800, $0x38;
	[tilespmem:$0x1F400] =	vst v63  }
0x38: {  	_ =	swait.ge [sflag:s12], $0xC800  }
0x39: {  	[sflag:s12] =	ssyncset.done $0x0  }
0x3a: {  	s15 =	simm.s32 $0x1F40;
	[sflag:s12] =	ssyncadd.s32 $0xFFFF3800  }
0x3b: {  	[tilespmem:s7], [sflag:$0x2] =	stream.indirect.gather [hbm4b:s4+s5], $0x20, s15, s5, $0xb8;
	[tilespmem:$0x1F400] =	vst v63  }
0x3c: {  	_ =	swait.ge [sflag:s8], $0xC800  }
0x3d: {  	[sflag:s8] =	ssyncset.done $0x0  }
0x3e: {  	s16 =	rddreg [dreg:$0x8];
	[sflag:s8] =	ssyncadd.s32 $0xFFFF3800  }
0x3f: {  	[hbm4b:s16+s2] =	stream.linear.scatter [tilespmem:s6], [sflag:$0x3], $0xC800, $0x38;
	[tilespmem:$0x1F400] =	vst v63  }
0x40: {  	_ =	swait.ge [sflag:s9], $0xC800  }
0x41: {  	[sflag:s9] =	ssyncset.done $0x0  }
0x42: {  	s16 =	simm.s32 $0x2580;
	[sflag:s9] =	ssyncadd.s32 $0xFFFF3800  }
0x43: {  	[tilespmem:s6], [sflag:$0x1] =	stream.indirect.gather [hbm4b:s4+s5], $0x20, s16, s5, $0xb8;
	[tilespmem:$0x1F400] =	vst v63  }
0x44: {  	_ =	swait.ge [sflag:s11], $0xC800  }
0x45: {  	[sflag:s11] =	ssyncset.done $0x0  }
0x46: {  	s17 =	rddreg [dreg:$0x9];
	[sflag:s11] =	ssyncadd.s32 $0xFFFF3800  }
0x47: {  	[hbm4b:s17+s2] =	stream.linear.scatter [tilespmem:s7], [sflag:$0x4], $0xC800, $0x38;
	[tilespmem:$0x1F400] =	vst v63  }
0x48: {  	_ =	swait.ge [sflag:s12], $0xC800  }
0x49: {  	[sflag:s12] =	ssyncset.done $0x0  }
0x4a: {  	s17 =	simm.s32 $0x2BC0;
	[sflag:s12] =	ssyncadd.s32 $0xFFFF3800  }
0x4b: {  	[tilespmem:s7], [sflag:$0x2] =	stream.indirect.gather [hbm4b:s4+s5], $0x20, s17, s5, $0xb8;
	[tilespmem:$0x1F400] =	vst v63  }
0x4c: {  	_ =	swait.ge [sflag:s8], $0xC800  }
0x4d: {  	[sflag:s8] =	ssyncset.done $0x0  }
0x4e: {  	s18 =	rddreg [dreg:$0xa];
	[sflag:s8] =	ssyncadd.s32 $0xFFFF3800  }
0x4f: {  	[hbm4b:s18+s2] =	stream.linear.scatter [tilespmem:s6], [sflag:$0x3], $0xC800, $0x38;
	[tilespmem:$0x1F400] =	vst v63  }
0x50: {  	_ =	swait.ge [sflag:s9], $0xC800  }
0x51: {  	[sflag:s9] =	ssyncset.done $0x0  }
0x52: {  	s18 =	simm.s32 $0x3200;
	[sflag:s9] =	ssyncadd.s32 $0xFFFF3800  }
0x53: {  	[tilespmem:s6], [sflag:$0x1] =	stream.indirect.gather [hbm4b:s4+s5], $0x20, s18, s5, $0xb8;
	[tilespmem:$0x1F400] =	vst v63  }
0x54: {  	_ =	swait.ge [sflag:s11], $0xC800  }
0x55: {  	[sflag:s11] =	ssyncset.done $0x0  }
0x56: {  	s19 =	rddreg [dreg:$0xb];
	[sflag:s11] =	ssyncadd.s32 $0xFFFF3800  }
0x57: {  	[hbm4b:s19+s2] =	stream.linear.scatter [tilespmem:s7], [sflag:$0x4], $0xC800, $0x38;
	[tilespmem:$0x1F400] =	vst v63  }
0x58: {  	_ =	swait.ge [sflag:s12], $0xC800  }
0x59: {  	[sflag:s12] =	ssyncset.done $0x0  }
0x5a: {  	s19 =	simm.s32 $0x3840;
	[sflag:s12] =	ssyncadd.s32 $0xFFFF3800  }
0x5b: {  	[tilespmem:s7], [sflag:$0x2] =	stream.indirect.gather [hbm4b:s4+s5], $0x20, s19, s5, $0xb8;
	[tilespmem:$0x1F400] =	vst v63  }
0x5c: {  	_ =	swait.ge [sflag:s8], $0xC800  }
0x5d: {  	[sflag:s8] =	ssyncset.done $0x0  }
0x5e: {  	s20 =	rddreg [dreg:$0xc];
	[sflag:s8] =	ssyncadd.s32 $0xFFFF3800  }
0x5f: {  	[hbm4b:s20+s2] =	stream.linear.scatter [tilespmem:s6], [sflag:$0x3], $0xC800, $0x38;
	[tilespmem:$0x1F400] =	vst v63  }
0x60: {  	_ =	swait.ge [sflag:s9], $0xC800  }
0x61: {  	[sflag:s9] =	ssyncset.done $0x0  }
0x62: {  	s20 =	simm.s32 $0x3E80;
	[sflag:s9] =	ssyncadd.s32 $0xFFFF3800  }
0x63: {  	[tilespmem:s6], [sflag:$0x1] =	stream.indirect.gather [hbm4b:s4+s5], $0x20, s20, s5, $0xb8;
	[tilespmem:$0x1F400] =	vst v63  }
0x64: {  	_ =	swait.ge [sflag:s11], $0xC800  }
0x65: {  	[sflag:s11] =	ssyncset.done $0x0  }
0x66: {  	s21 =	rddreg [dreg:$0xd];
	[sflag:s11] =	ssyncadd.s32 $0xFFFF3800  }
0x67: {  	[hbm4b:s21+s2] =	stream.linear.scatter [tilespmem:s7], [sflag:$0x4], $0xC800, $0x38;
	[tilespmem:$0x1F400] =	vst v63  }
0x68: {  	_ =	swait.ge [sflag:s12], $0xC800  }
0x69: {  	[sflag:s12] =	ssyncset.done $0x0  }
0x6a: {  	s21 =	simm.s32 $0x44C0;
	[sflag:s12] =	ssyncadd.s32 $0xFFFF3800  }
0x6b: {  	[tilespmem:s7], [sflag:$0x2] =	stream.indirect.gather [hbm4b:s4+s5], $0x20, s21, s5, $0xb8;
	[tilespmem:$0x1F400] =	vst v63  }
0x6c: {  	_ =	swait.ge [sflag:s8], $0xC800  }
0x6d: {  	[sflag:s8] =	ssyncset.done $0x0  }
0x6e: {  	s22 =	rddreg [dreg:$0xe];
	[sflag:s8] =	ssyncadd.s32 $0xFFFF3800  }
0x6f: {  	[hbm4b:s22+s2] =	stream.linear.scatter [tilespmem:s6], [sflag:$0x3], $0xC800, $0x38;
	[tilespmem:$0x1F400] =	vst v63  }
0x70: {  	_ =	swait.ge [sflag:s9], $0xC800  }
0x71: {  	[sflag:s9] =	ssyncset.done $0x0  }
0x72: {  	s22 =	simm.s32 $0x4B00;
	[sflag:s9] =	ssyncadd.s32 $0xFFFF3800  }
0x73: {  	[tilespmem:s6], [sflag:$0x1] =	stream.indirect.gather [hbm4b:s4+s5], $0x20, s22, s5, $0xb8;
	[tilespmem:$0x1F400] =	vst v63  }
0x74: {  	_ =	swait.ge [sflag:s11], $0xC800  }
0x75: {  	[sflag:s11] =	ssyncset.done $0x0  }
0x76: {  	s23 =	sadd.s32 $0x11300, s31;
	[sflag:s11] =	ssyncadd.s32 $0xFFFF3800  }
0x77: {  	[hbm4b:s23+s2] =	stream.linear.scatter [tilespmem:s7], [sflag:$0x4], $0xC800, $0x38;
	[tilespmem:$0x1F400] =	vst v63  }
0x78: {  	_ =	swait.ge [sflag:s12], $0xC800  }
0x79: {  	[sflag:s12] =	ssyncset.done $0x0  }
0x7a: {  	s24 =	simm.s32 $0x5140;
	[sflag:s12] =	ssyncadd.s32 $0xFFFF3800  }
0x7b: {  	[tilespmem:s7], [sflag:$0x2] =	stream.indirect.gather [hbm4b:s4+s5], $0x20, s24, s5, $0xb8;
	[tilespmem:$0x1F400] =	vst v63  }
0x7c: {  	_ =	swait.ge [sflag:s8], $0xC800  }
0x7d: {  	[sflag:s8] =	ssyncset.done $0x0  }
0x7e: {  	s25 =	sadd.s32 $0x12C00, s31;
	[sflag:s8] =	ssyncadd.s32 $0xFFFF3800  }
0x7f: {  	[hbm4b:s25+s2] =	stream.linear.scatter [tilespmem:s6], [sflag:$0x3], $0xC800, $0x38;
	[tilespmem:$0x1F400] =	vst v63  }
0x80: {  	_ =	swait.ge [sflag:s9], $0xC800  }
0x81: {  	[sflag:s9] =	ssyncset.done $0x0  }
0x82: {  	s26 =	simm.s32 $0x5780;
	[sflag:s9] =	ssyncadd.s32 $0xFFFF3800  }
0x83: {  	[tilespmem:s6], [sflag:$0x1] =	stream.indirect.gather [hbm4b:s4+s5], $0x20, s26, s5, $0xb8;
	[tilespmem:$0x1F400] =	vst v63  }
0x84: {  	_ =	swait.ge [sflag:s11], $0xC800  }
0x85: {  	[sflag:s11] =	ssyncset.done $0x0  }
0x86: {  	s28 =	sadd.s32 $0x14500, s31;
	[sflag:s11] =	ssyncadd.s32 $0xFFFF3800  }
0x87: {  	[hbm4b:s28+s2] =	stream.linear.scatter [tilespmem:s7], [sflag:$0x4], $0xC800, $0x38;
	[tilespmem:$0x1F400] =	vst v63  }
0x88: {  	_ =	swait.ge [sflag:s12], $0xC800  }
0x89: {  	[sflag:s12] =	ssyncset.done $0x0  }
0x8a: {  	s29 =	simm.s32 $0x5DC0;
	[sflag:s12] =	ssyncadd.s32 $0xFFFF3800  }
0x8b: {  	[tilespmem:s7], [sflag:$0x2] =	stream.indirect.gather [hbm4b:s4+s5], $0x20, s29, s5, $0xb8;
	[tilespmem:$0x1F400] =	vst v63  }
0x8c: {  	_ =	swait.ge [sflag:s8], $0xC800  }
0x8d: {  	s1 =	ssub.s32 $0x2, s1;
	[sflag:s8] =	ssyncset.done $0x0  }
0x8e: {  	s0 =	sshrl.u32 s1, $0x1;
	s30 =	sadd.s32 $0x15E00, s31;
	[sflag:s8] =	ssyncadd.s32 $0xFFFF3800  }
0x8f: {  	[hbm4b:s30+s2] =	stream.linear.scatter [tilespmem:s6], [sflag:$0x3], $0xC800, $0x38;
	[tilespmem:$0x1F400] =	vst v63  }
0x90: {  	s0 =	ssub.s32 s1, s0;
	_ =	swait.ge [sflag:s11], $0xC800  }
0x91: {  	s0 =	smax.u32 s0, $0x1;
	[sflag:s11] =	ssyncset.done $0x0  }
0x92: {  	p0 =	sne.s32 s0, $0x1;
	s31 =	sadd.s32 $0x17700, s31;
	[sflag:s11] =	ssyncadd.s32 $0xFFFF3800  }
0x93: {  	[hbm4b:s31+s2] =	stream.linear.scatter [tilespmem:s7], [sflag:$0x4], $0xC800, $0x38;
	[tilespmem:$0x1F400] =	vst v63  }
.Ltmp0:
0x94: {  	_ =	swait.ge [sflag:s9], $0xC800;
	(pc) =	sbr.rel @!p0 .LBB2_2-.Ltmp0, $4  }
0x95: {  	[sflag:s9] =	ssyncset.done $0x0  }
0x96: {  	[sflag:s9] =	ssyncadd.s32 $0xFFFF3800  }
0x97: {  	_ =	swait.ge [sflag:s12], $0xC800  }
0x98: {  	s1 =	sadd.s32 $0xFFFFFFFF, s0;
	[sflag:s12] =	ssyncset.done $0x0  }
.LBB2_1:
0x99: {  	s0 =	rddreg [dreg:$0x3];
	[sflag:s12] =	ssyncadd.s32 $0xFFFF3800  }
0x9a: {  	[tilespmem:s2], [sflag:$0x5] =	stream.linear.gather [hbm4b:s0+s2], $0x6400, $0x38;
	[tilespmem:$0x1F400] =	vst v63  }
0x9b: {  	_ =	swait.ge [sflag:s3], $0x6400  }
0x9c: {  	[sflag:s3] =	ssyncset.done $0x0  }
0x9d: {  	[sflag:s3] =	ssyncadd.s32 $0xFFFF9C00  }
0x9e: {  	[tilespmem:s6], [sflag:$0x1] =	stream.indirect.gather [hbm4b:s4+s5], $0x20, s2, s5, $0xb8;
	[tilespmem:$0x1F400] =	vst v63  }
0x9f: {  	_ = 	snop  }
0xa0: {  	[tilespmem:s7], [sflag:$0x2] =	stream.indirect.gather [hbm4b:s4+s5], $0x20, s5, s5, $0xb8;
	[tilespmem:$0x1F400] =	vst v63  }
0xa1: {  	_ =	swait.ge [sflag:s8], $0xC800  }
0xa2: {  	[sflag:s8] =	ssyncset.done $0x0  }
0xa3: {  	s0 =	rddreg [dreg:$0x4];
	[sflag:s8] =	ssyncadd.s32 $0xFFFF3800  }
0xa4: {  	[hbm4b:s0+s2] =	stream.linear.scatter [tilespmem:s6], [sflag:$0x3], $0xC800, $0x38;
	[tilespmem:$0x1F400] =	vst v63  }
0xa5: {  	_ =	swait.ge [sflag:s9], $0xC800  }
0xa6: {  	[sflag:s9] =	ssyncset.done $0x0  }
0xa7: {  	[sflag:s9] =	ssyncadd.s32 $0xFFFF3800  }
0xa8: {  	[tilespmem:s6], [sflag:$0x1] =	stream.indirect.gather [hbm4b:s4+s5], $0x20, s10, s5, $0xb8;
	[tilespmem:$0x1F400] =	vst v63  }
0xa9: {  	_ =	swait.ge [sflag:s11], $0xC800  }
0xaa: {  	[sflag:s11] =	ssyncset.done $0x0  }
0xab: {  	s0 =	rddreg [dreg:$0x5];
	[sflag:s11] =	ssyncadd.s32 $0xFFFF3800  }
0xac: {  	[hbm4b:s0+s2] =	stream.linear.scatter [tilespmem:s7], [sflag:$0x4], $0xC800, $0x38;
	[tilespmem:$0x1F400] =	vst v63  }
0xad: {  	_ =	swait.ge [sflag:s12], $0xC800  }
0xae: {  	[sflag:s12] =	ssyncset.done $0x0  }
0xaf: {  	[sflag:s12] =	ssyncadd.s32 $0xFFFF3800  }
0xb0: {  	[tilespmem:s7], [sflag:$0x2] =	stream.indirect.gather [hbm4b:s4+s5], $0x20, s13, s5, $0xb8;
	[tilespmem:$0x1F400] =	vst v63  }
0xb1: {  	_ =	swait.ge [sflag:s8], $0xC800  }
0xb2: {  	[sflag:s8] =	ssyncset.done $0x0  }
0xb3: {  	s0 =	rddreg [dreg:$0x6];
	[sflag:s8] =	ssyncadd.s32 $0xFFFF3800  }
0xb4: {  	[hbm4b:s0+s2] =	stream.linear.scatter [tilespmem:s6], [sflag:$0x3], $0xC800, $0x38;
	[tilespmem:$0x1F400] =	vst v63  }
0xb5: {  	_ =	swait.ge [sflag:s9], $0xC800  }
0xb6: {  	[sflag:s9] =	ssyncset.done $0x0  }
0xb7: {  	[sflag:s9] =	ssyncadd.s32 $0xFFFF3800  }
0xb8: {  	[tilespmem:s6], [sflag:$0x1] =	stream.indirect.gather [hbm4b:s4+s5], $0x20, s14, s5, $0xb8;
	[tilespmem:$0x1F400] =	vst v63  }
0xb9: {  	_ =	swait.ge [sflag:s11], $0xC800  }
0xba: {  	[sflag:s11] =	ssyncset.done $0x0  }
0xbb: {  	s0 =	rddreg [dreg:$0x7];
	[sflag:s11] =	ssyncadd.s32 $0xFFFF3800  }
0xbc: {  	[hbm4b:s0+s2] =	stream.linear.scatter [tilespmem:s7], [sflag:$0x4], $0xC800, $0x38;
	[tilespmem:$0x1F400] =	vst v63  }
0xbd: {  	_ =	swait.ge [sflag:s12], $0xC800  }
0xbe: {  	[sflag:s12] =	ssyncset.done $0x0  }
0xbf: {  	[sflag:s12] =	ssyncadd.s32 $0xFFFF3800  }
0xc0: {  	[tilespmem:s7], [sflag:$0x2] =	stream.indirect.gather [hbm4b:s4+s5], $0x20, s15, s5, $0xb8;
	[tilespmem:$0x1F400] =	vst v63  }
0xc1: {  	_ =	swait.ge [sflag:s8], $0xC800  }
0xc2: {  	[sflag:s8] =	ssyncset.done $0x0  }
0xc3: {  	s0 =	rddreg [dreg:$0x8];
	[sflag:s8] =	ssyncadd.s32 $0xFFFF3800  }
0xc4: {  	[hbm4b:s0+s2] =	stream.linear.scatter [tilespmem:s6], [sflag:$0x3], $0xC800, $0x38;
	[tilespmem:$0x1F400] =	vst v63  }
0xc5: {  	_ =	swait.ge [sflag:s9], $0xC800  }
0xc6: {  	[sflag:s9] =	ssyncset.done $0x0  }
0xc7: {  	[sflag:s9] =	ssyncadd.s32 $0xFFFF3800  }
0xc8: {  	[tilespmem:s6], [sflag:$0x1] =	stream.indirect.gather [hbm4b:s4+s5], $0x20, s16, s5, $0xb8;
	[tilespmem:$0x1F400] =	vst v63  }
0xc9: {  	_ =	swait.ge [sflag:s11], $0xC800  }
0xca: {  	[sflag:s11] =	ssyncset.done $0x0  }
0xcb: {  	s0 =	rddreg [dreg:$0x9];
	[sflag:s11] =	ssyncadd.s32 $0xFFFF3800  }
0xcc: {  	[hbm4b:s0+s2] =	stream.linear.scatter [tilespmem:s7], [sflag:$0x4], $0xC800, $0x38;
	[tilespmem:$0x1F400] =	vst v63  }
0xcd: {  	_ =	swait.ge [sflag:s12], $0xC800  }
0xce: {  	[sflag:s12] =	ssyncset.done $0x0  }
0xcf: {  	[sflag:s12] =	ssyncadd.s32 $0xFFFF3800  }
0xd0: {  	[tilespmem:s7], [sflag:$0x2] =	stream.indirect.gather [hbm4b:s4+s5], $0x20, s17, s5, $0xb8;
	[tilespmem:$0x1F400] =	vst v63  }
0xd1: {  	_ =	swait.ge [sflag:s8], $0xC800  }
0xd2: {  	[sflag:s8] =	ssyncset.done $0x0  }
0xd3: {  	s0 =	rddreg [dreg:$0xa];
	[sflag:s8] =	ssyncadd.s32 $0xFFFF3800  }
0xd4: {  	[hbm4b:s0+s2] =	stream.linear.scatter [tilespmem:s6], [sflag:$0x3], $0xC800, $0x38;
	[tilespmem:$0x1F400] =	vst v63  }
0xd5: {  	_ =	swait.ge [sflag:s9], $0xC800  }
0xd6: {  	[sflag:s9] =	ssyncset.done $0x0  }
0xd7: {  	[sflag:s9] =	ssyncadd.s32 $0xFFFF3800  }
0xd8: {  	[tilespmem:s6], [sflag:$0x1] =	stream.indirect.gather [hbm4b:s4+s5], $0x20, s18, s5, $0xb8;
	[tilespmem:$0x1F400] =	vst v63  }
0xd9: {  	_ =	swait.ge [sflag:s11], $0xC800  }
0xda: {  	[sflag:s11] =	ssyncset.done $0x0  }
0xdb: {  	s0 =	rddreg [dreg:$0xb];
	[sflag:s11] =	ssyncadd.s32 $0xFFFF3800  }
0xdc: {  	[hbm4b:s0+s2] =	stream.linear.scatter [tilespmem:s7], [sflag:$0x4], $0xC800, $0x38;
	[tilespmem:$0x1F400] =	vst v63  }
0xdd: {  	_ =	swait.ge [sflag:s12], $0xC800  }
0xde: {  	[sflag:s12] =	ssyncset.done $0x0  }
0xdf: {  	[sflag:s12] =	ssyncadd.s32 $0xFFFF3800  }
0xe0: {  	[tilespmem:s7], [sflag:$0x2] =	stream.indirect.gather [hbm4b:s4+s5], $0x20, s19, s5, $0xb8;
	[tilespmem:$0x1F400] =	vst v63  }
0xe1: {  	_ =	swait.ge [sflag:s8], $0xC800  }
0xe2: {  	[sflag:s8] =	ssyncset.done $0x0  }
0xe3: {  	s0 =	rddreg [dreg:$0xc];
	[sflag:s8] =	ssyncadd.s32 $0xFFFF3800  }
0xe4: {  	[hbm4b:s0+s2] =	stream.linear.scatter [tilespmem:s6], [sflag:$0x3], $0xC800, $0x38;
	[tilespmem:$0x1F400] =	vst v63  }
0xe5: {  	_ =	swait.ge [sflag:s9], $0xC800  }
0xe6: {  	[sflag:s9] =	ssyncset.done $0x0  }
0xe7: {  	[sflag:s9] =	ssyncadd.s32 $0xFFFF3800  }
0xe8: {  	[tilespmem:s6], [sflag:$0x1] =	stream.indirect.gather [hbm4b:s4+s5], $0x20, s20, s5, $0xb8;
	[tilespmem:$0x1F400] =	vst v63  }
0xe9: {  	_ =	swait.ge [sflag:s11], $0xC800  }
0xea: {  	[sflag:s11] =	ssyncset.done $0x0  }
0xeb: {  	s0 =	rddreg [dreg:$0xd];
	[sflag:s11] =	ssyncadd.s32 $0xFFFF3800  }
0xec: {  	[hbm4b:s0+s2] =	stream.linear.scatter [tilespmem:s7], [sflag:$0x4], $0xC800, $0x38;
	[tilespmem:$0x1F400] =	vst v63  }
0xed: {  	_ =	swait.ge [sflag:s12], $0xC800  }
0xee: {  	[sflag:s12] =	ssyncset.done $0x0  }
0xef: {  	[sflag:s12] =	ssyncadd.s32 $0xFFFF3800  }
0xf0: {  	[tilespmem:s7], [sflag:$0x2] =	stream.indirect.gather [hbm4b:s4+s5], $0x20, s21, s5, $0xb8;
	[tilespmem:$0x1F400] =	vst v63  }
0xf1: {  	_ =	swait.ge [sflag:s8], $0xC800  }
0xf2: {  	[sflag:s8] =	ssyncset.done $0x0  }
0xf3: {  	s0 =	rddreg [dreg:$0xe];
	[sflag:s8] =	ssyncadd.s32 $0xFFFF3800  }
0xf4: {  	[hbm4b:s0+s2] =	stream.linear.scatter [tilespmem:s6], [sflag:$0x3], $0xC800, $0x38;
	[tilespmem:$0x1F400] =	vst v63  }
0xf5: {  	_ =	swait.ge [sflag:s9], $0xC800  }
0xf6: {  	[sflag:s9] =	ssyncset.done $0x0  }
0xf7: {  	[sflag:s9] =	ssyncadd.s32 $0xFFFF3800  }
0xf8: {  	[tilespmem:s6], [sflag:$0x1] =	stream.indirect.gather [hbm4b:s4+s5], $0x20, s22, s5, $0xb8;
	[tilespmem:$0x1F400] =	vst v63  }
0xf9: {  	_ =	swait.ge [sflag:s11], $0xC800  }
0xfa: {  	[sflag:s11] =	ssyncset.done $0x0  }
0xfb: {  	[sflag:s11] =	ssyncadd.s32 $0xFFFF3800  }
0xfc: {  	[hbm4b:s23+s2] =	stream.linear.scatter [tilespmem:s7], [sflag:$0x4], $0xC800, $0x38;
	[tilespmem:$0x1F400] =	vst v63  }
0xfd: {  	_ =	swait.ge [sflag:s12], $0xC800  }
0xfe: {  	[sflag:s12] =	ssyncset.done $0x0  }
0xff: {  	[sflag:s12] =	ssyncadd.s32 $0xFFFF3800  }
0x100: {  	[tilespmem:s7], [sflag:$0x2] =	stream.indirect.gather [hbm4b:s4+s5], $0x20, s24, s5, $0xb8;
	[tilespmem:$0x1F400] =	vst v63  }
0x101: {  	_ =	swait.ge [sflag:s8], $0xC800  }
0x102: {  	[sflag:s8] =	ssyncset.done $0x0  }
0x103: {  	[sflag:s8] =	ssyncadd.s32 $0xFFFF3800  }
0x104: {  	[hbm4b:s25+s2] =	stream.linear.scatter [tilespmem:s6], [sflag:$0x3], $0xC800, $0x38;
	[tilespmem:$0x1F400] =	vst v63  }
0x105: {  	_ =	swait.ge [sflag:s9], $0xC800  }
0x106: {  	[sflag:s9] =	ssyncset.done $0x0  }
0x107: {  	[sflag:s9] =	ssyncadd.s32 $0xFFFF3800  }
0x108: {  	[tilespmem:s6], [sflag:$0x1] =	stream.indirect.gather [hbm4b:s4+s5], $0x20, s26, s5, $0xb8;
	[tilespmem:$0x1F400] =	vst v63  }
0x109: {  	_ =	swait.ge [sflag:s11], $0xC800  }
0x10a: {  	[sflag:s11] =	ssyncset.done $0x0  }
0x10b: {  	[sflag:s11] =	ssyncadd.s32 $0xFFFF3800  }
0x10c: {  	[hbm4b:s28+s2] =	stream.linear.scatter [tilespmem:s7], [sflag:$0x4], $0xC800, $0x38;
	[tilespmem:$0x1F400] =	vst v63  }
0x10d: {  	_ =	swait.ge [sflag:s12], $0xC800  }
0x10e: {  	[sflag:s12] =	ssyncset.done $0x0  }
0x10f: {  	[sflag:s12] =	ssyncadd.s32 $0xFFFF3800  }
0x110: {  	[tilespmem:s7], [sflag:$0x2] =	stream.indirect.gather [hbm4b:s4+s5], $0x20, s29, s5, $0xb8;
	[tilespmem:$0x1F400] =	vst v63  }
0x111: {  	_ =	swait.ge [sflag:s8], $0xC800  }
0x112: {  	[sflag:s8] =	ssyncset.done $0x0  }
0x113: {  	[sflag:s8] =	ssyncadd.s32 $0xFFFF3800  }
0x114: {  	[hbm4b:s30+s2] =	stream.linear.scatter [tilespmem:s6], [sflag:$0x3], $0xC800, $0x38;
	[tilespmem:$0x1F400] =	vst v63  }
0x115: {  	_ =	swait.ge [sflag:s11], $0xC800  }
0x116: {  	[sflag:s11] =	ssyncset.done $0x0  }
0x117: {  	p0 =	sne.s32 s1, $0x1;
	[sflag:s11] =	ssyncadd.s32 $0xFFFF3800  }
0x118: {  	[hbm4b:s31+s2] =	stream.linear.scatter [tilespmem:s7], [sflag:$0x4], $0xC800, $0x38;
	[tilespmem:$0x1F400] =	vst v63  }
.Ltmp1:
0x119: {  	_ =	swait.ge [sflag:s9], $0xC800;
	(pc) =	sbr.rel @p0 .LBB2_1-.Ltmp1, $4  }
0x11a: {  	[sflag:s9] =	ssyncset.done $0x0  }
0x11b: {  	[sflag:s9] =	ssyncadd.s32 $0xFFFF3800  }
0x11c: {  	_ =	swait.ge [sflag:s12], $0xC800  }
0x11d: {  	s1 =	sadd.s32 $0xFFFFFFFF, s1;
	[sflag:s12] =	ssyncset.done $0x0  }
.LBB2_2:
0x11e: {  	[sflag:s12] =	ssyncadd.s32 $0xFFFF3800  }
0x11f: {  	_ =	sfence.sel $0x180000  }
0x120: {  	[bflag:$0x0] =	sbarrier.arrive $0xFFFF  }
0x121: {  	_ =	strace $0x90000047  }
0x122: {  	s0 =	stileid.u32;
	[bflag:$0x2] =	sbarrier.arrive $0xFFFF  }
0x123: {  	p0 =	sne.s32 s0, $0x0;
	s0 =	rddreg [dreg:$0x2]  }
0x124: {  	s0 =	sadd.s32 @!p0 $0x100000, s0  }
0x125: {  	[sflag:s0] =	ssyncadd.tile.s32 @!p0 $0x1;
	_ =	shalt  }
.Lfunc_end2:
_tile_overlayer_lowered:
.L_overlay_start_2:
0x126: {  	(tag) =	ssettag $0x2  }
0x127: {  	s0 =	rddreg [dreg:$0x0];
	s2 =	stileid.u32  }
0x128: {  	s1 =	rddreg [dreg:$0x1];
	p0 =	sne.s32 s2, $0x0  }
0x129: {  	s3 =	rddreg [dreg:$0x2];
	[bflag:$0x3] =	sbarrier.arrive $0xFFFF;
	s2 =	simm.s32 @!p0 $0x1C05  }
0x12a: {  	[timem:s3], [sflag:s2] =	dma.local @!p0 [hbm:s0], s1  }
0x12b: {  	s0 =	simm.s32 @!p0 $0x5  }
0x12c: {  	_ =	swait.ge @!p0 [sflag:s0], s1  }
0x12d: {  	s1 =	ssub.s32 @!p0 $0x0, s1;
	[sflag:s0] =	ssyncset.done @!p0 $0x0  }
0x12e: {  	[sflag:s0] =	ssyncadd.s32 @!p0 s1  }
0x12f: {  	[bflag:$0x3] =	sbarrier.arrive $0xFFFF  }
0x130: {  	_ =	shalt  }

// kernel: sparse-core-data-format-call.1.cloned.1.call-start
scs
called_computation.1_lowered:
.L_overlay_start_0:
0x0: {  	s2 =	sld [smem:$0x3FD9]  }
0x1: {  	s3 =	sld [smem:$0x3FFE];
	_ =	sdelay $0x1  }
0x2: {  	s1 =	srdreg.scid  }
0x3: {  	s0 =	sand.u32 $0x1, s1  }
0x4: {  	s18 =	sshll.u32 s0, $0xA;
	s2 =	sadd.s32 s3, s2  }
0x5: {  	s2 =	sadd.s32 s2, s18  }
0x6: {  	[smem:$0x3FC6] =	sst s2  }
0x7: {  	_ = 	snop  }
0x8: {  	s2 =	sld [smem:$0x3FD0];
	(tm) =	ssettm $0x1  }
0x9: {  	s19 =	sld [smem:$0x3FFB];
	_ =	sdelay $0x3  }
0xa: {  	_ =	strace s19  }
0xb: {  	s3 =	sld [smem:$0x3FFC];
	_ =	sdelay $0x3  }
0xc: {  	_ =	strace s3  }
0xd: {  	s3 =	sld [smem:$0x3FFD];
	_ =	sdelay $0x3  }
0xe: {  	_ =	strace s3  }
0xf: {  	_ =	strace $0x8FFFFFFF  }
0x10: {  	s20 =	sld [smem:$0x3FDB];
	_ =	sdelay $0x1  }
0x11: {  	s4 =	simm.s32 $_scs_section_size  }
0x12: {  	s5 =	simm.s32 $_size__tile_overlayer_lowered;
	s6 =	simm.s32 $_tile_overlayer_lowered  }
0x13: {  	s23 =	simm.s32 $0x1BFF;
	s22 =	sshll.u32 s6, $0x1;
	s3 =	sadd.s32 s4, s20  }
0x14: {  	s7 =	simm.s32 $0x0;
	s21 =	sshll.u32 s5, $0x1;
	s5 =	sadd.s32 s22, s3  }
0x15: {  	[timem:s7], [sflag:s23] =	dma.local [hbm:s5], s21  }
0x16: {  	_ =	swait.ge [sflag:s23], s21  }
0x17: {  	s4 =	ssub.s32 $0x0, s21;
	[sflag:s23] =	ssyncset.done $0x0  }
0x18: {  	[sflag:s23] =	ssyncadd.s32 s4;
	_ =	sdelay $0x1  }
0x19: {  	s24 =	simm.s32 $0x1B8B  }
0x1a: {  	_ =	swait.ge [sflag:s24], $0x1  }
0x1b: {  	[sflag:s24] =	ssyncset.done $0x0  }
0x1c: {  	s26 =	simm.s32 $0x1B8E;
	s25 =	sld [smem:$0x3FFE];
	[sflag:s24] =	ssyncadd.s32 $0xFFFFFFFF  }
0x1d: {  	s27 =	simm.s32 $execute0_lowered;
	[smem:$0x3FD2] =	sst s26  }
0x1e: {  	s5 =	sshll.u32 s27, $0x1;
	_ =	strace $0x80000049;
	[dreg:$0x1] =	wrdreg $0xFFFFFFFF  }
0x1f: {  	s28 =	simm.s32 $_size_execute0_lowered;
	s3 =	sadd.s32 s3, s5;
	[dreg:$0x0] =	wrdreg $0x0  }
0x20: {  	s5 =	sshll.u32 s28, $0x1;
	[dreg:$0x2] =	wrdreg s3  }
0x21: {  	[dreg:$0x3] =	wrdreg s5  }
0x22: {  	[dreg:$0x4] =	wrdreg $0xC0  }
0x23: {  	_ =	task [dreg:s7], $0x5FFFF  }
0x24: {  	[dreg:$0x1] =	wrdreg $0xFFFFFFFF  }
0x25: {  	[dreg:$0x0] =	wrdreg $0x60  }
0x26: {  	[dreg:$0x2] =	wrdreg s25  }
0x27: {  	[dreg:$0x3] =	wrdreg s2  }
0x28: {  	[dreg:$0x4] =	wrdreg $0x9  }
0x29: {  	_ =	task.clear_ibuf [dreg:s7], $0x5FFFF;
	_ =	strace $0x90000049  }
0x2a: {  	s29 =	simm.s32 $0x9;
	_ =	strace $0x8000004B  }
0x2b: {  	_ =	swait.ge [sflag:s29], $0x1  }
0x2c: {  	[sflag:s29] =	ssyncadd.s32 $0xFFFFFFFF  }
0x2d: {  	_ =	strace $0x9000004B  }
0x2e: {  	_ =	sfence  }
0x2f: {  	s30 =	sld [smem:$0x0];
	_ =	sdelay $0x2  }
0x30: {  	s31 =	sshll.u32 s1, $0xD;
	s1 =	sshrl.u32 s1, $0x2  }
0x31: {  	s3 =	sand.u32 $0x4000, s31;
	s1 =	sadd.s32 s1, s30  }
0x32: {  	s0 =	sor.u32 s3, s0;
	s1 =	sshll.u32 s1, $0x11  }
0x33: {  	s0 =	sor.u32 s1, s0  }
0x34: {  	s0 =	sadd.s32 $0x8F2B, s0  }
0x35: {  	[sflag:s0] =	ssyncadd.remote.s32 $0x1  }
0x36: {  	_ =	sfence.sel $0xFFFF  }
0x37: {  	[dreg:$0x0] =	wrdreg $0xFFFFFFFF;
	(pc) =	sbr.abs _section_cstart, $3  }
0x38: {  	[dreg:$0x1] =	wrdreg $0xFFFFFFFF  }
0x39: {  	_ =	task.clear_ibuf [dreg:s7], $0x2FFFF;
	_ =	strace $0x9FFFFFFF  }
0x3a: {  	(tm) =	ssettm $0x7FFFFFFF  }
0x3b: {  	_ =	shalt  }
tec
execute0_lowered:
.L_overlay_start_1:
0x0: {  	(tag) =	ssettag $0x1  }
0x1: {  	s0 =	srdreg.scid  }
0x2: {  	s1 =	sshll.u32 s0, $0x4  }
0x3: {  	s4 =	rddreg [dreg:$0x0];
	s0 =	stileid.u32;
	s1 =	sand.u32 $0x10, s1  }
0x4: {  	s2 =	rddreg [dreg:$0x1];
	s7 =	simm.s32 $0x1;
	s1 =	sor.u32 s0, s1  }
0x5: {  	s8 =	simm.s32 $0x2;
	s11 =	simm.s32 $0x0;
	s3 =	sshll.u32 s1, $0x7  }
0x6: {  	s10 =	simm.s32 $0x0;
	s4 =	sadd.s32 $0x320E00, s4;
	s6 =	ssub.s32 $0xC8000, s3  }
.Ltmp0:
0x7: {  	s1 =	rddreg [dreg:$0x2];
	s5 =	sand.u32 $0xF80, s6;
	(pc) =	sbr.rel .LBB1_1-.Ltmp0, $4  }
0x8: {  	_ =	strace $0x8000004A;
	s9 =	smov.u32 s3;
	p0 =	sne.s32 s5, $0x0  }
0x9: {  	s6 =	sshrl.u32 s6, $0xC;
	s5 =	simm.s32 $0x1;
	s7 =	simm.s32 @!p0 $0x0  }
0xa: {  	[sflag:s5] =	ssyncpa.u1 $0x0;
	p0 =	por $0x0, $0x0;
	s6 =	sadd.s32 s7, s6  }
0xb: {  	[sflag:s8] =	ssyncpa.u1 $0x0;
	s8 =	simm.s32 $0x320000;
	s7 =	sadd.s32 $0x1, s6  }
.LBB1_4:
0xc: {  	s15 =	sshll.u32 s11, $0x3;
	s28 =	sshll.u32 s11, $0x1  }
0xd: {  	s16 =	sand.u32 $0xFFFFFC00, s15;
	s11 =	sand.u32 $0xFE, s28  }
0xe: {  	s11 =	sor.u32 s11, s16  }
0xf: {  	s16 =	smulhi.u32 $0x51EB851F, s11;
	_ =	sdelay $0x1  }
0x10: {  	s15 =	smulhi.u32 $0x51EB851F, s15;
	s16 =	sshrl.u32 s16, $0x12  }
0x11: {  	s13 =	sadd.s32 $0x4, s13;
	s16 =	smul.u32 $0xC8000, s16  }
0x12: {  	v1 =	vperm.xlane.i2c.b16 v1;
	v0 =	vperm.xlane.i2c.b16 v0;
	s29 =	sand.u32 $0x7C, s13;
	s13 =	sand.u32 $0x80, s13;
	s15 =	sshrl.u32 s15, $0x12  }
0x13: {  	s15 =	sand.u32 $0x1F, s15;
	s11 =	ssub.s32 s11, s16;
	s16 =	sshrl.u32 s29, $0x1  }
0x14: {  	v3 =	vcombine.low v0, v1;
	s13 =	sshrl.u32 s13, $0x1;
	s15 =	smul.u32 $0xC800, s15;
	s16 =	sadd.s32 s16, s12  }
0x15: {  	[tilespmem:s14+$0x1 ss:$0x81] =	vst.msk $0xffff, v2;
	v0 =	vcombine.high v0, v1;
	s30 =	sshll.u32 s11, $0x11;
	s13 =	sadd.s32 s13, s16  }
0x16: {  	s15 =	sadd.s32 s2, s15;
	s11 =	sshrl.u32 s11, $0x4;
	s14 =	sand.u32 $0x1C0000, s30;
	[tilespmem:s13+$0x0 ss:$0x81] =	vst.msk $0xffff, v3  }
0x17: {  	s11 =	sadd.s32 s11, s15;
	s31 =	sor.u32 $0x200, s14;
	[tilespmem:s13+$0x1 ss:$0x81] =	vst.msk $0xffff, v0  }
0x18: {  	[hbm4b:s11+s31] =	stream.strided.scatter [tilespmem:s12], [sflag:$0x2], $0x800, s8, s31, $0x20;
	[tilespmem:$0x2020] =	vst v63  }
.LBB1_5:
0x19: {  	s13 =	sadd.s32 $0x1000, s9  }
0x1a: {  	p2 =	sgt.s32 s13, $0xC7FFF  }
0x1b: {  	s13 =	smov.u32 @p2 s3;
	p2 =	sne.s32 s10, s7  }
.Ltmp1:
0x1c: {  	p1 =	slt.u32 s10, $0x2;
	(pc) =	sbr.rel @!p2 .LBB1_6-.Ltmp1, $4  }
0x1d: {  	s12 =	simm.s32 @!p1 $0x2  }
0x1e: {  	s14 =	sadd.s32 $0x1, s10;
	_ =	swait.ge @!p1 [sflag:s12], $0x800  }
0x1f: {  	s11 =	smov.u32 s9;
	p0 =	por !p0, !p0;
	[sflag:s12] =	ssyncset.done @!p1 $0x0  }
0x20: {  	s10 =	smov.u32 s14;
	s9 =	smov.u32 s13;
	[sflag:s12] =	ssyncadd.s32 @!p1 $0xFFFFF800  }
.LBB1_1:
0x21: {  	p1 =	sge.u32 s10, s6  }
0x22: {  	s12 =	sand.u32 @!p1 $0x1FFFFFE, s9  }
0x23: {  	s13 =	smulhi.u32 @!p1 $0x147AE15, s12;
	_ =	sdelay $0x1  }
0x24: {  	s13 =	sshrl.u32 @!p1 s13, $0xC  }
0x25: {  	s13 =	smul.u32 @!p1 $0xC8000, s13;
	_ =	sdelay $0x1  }
0x26: {  	s31 =	sadd.s32 $0xFFFFFFFF, s10;
	s12 =	ssub.s32 @!p1 s12, s13;
	s13 =	sxor.u32 @!p1 $0xFFFFFFFF, s10  }
0x27: {  	s14 =	simm.s32 @!p1 $0x20;
	s12 =	sshll.u32 @!p1 s12, $0x3;
	s13 =	sshll.u32 @!p1 s13, $0xB  }
0x28: {  	s15 =	simm.s32 @!p1 $0x80;
	s12 =	sadd.s32 @!p1 s4, s12;
	s13 =	sand.u32 @!p1 $0x800, s13  }
0x29: {  	[tilespmem:s13], [sflag:$0x1] =	stream.strided.gather @!p1 [hbm4b:s12+s14], $0x800, s15, s14, $0x38;
	[tilespmem:$0x2020] =	vst v63  }
0x2a: {  	p1 =	sge.u32 s31, s6  }
.Ltmp2:
0x2b: {  	_ = 	snop;
	(pc) =	sbr.rel @p1 .LBB1_5-.Ltmp2, $1  }
0x2c: {  	_ =	sdelay $0x3  }
0x2d: {  	s12 =	simm.s32 $0x1  }
0x2e: {  	_ =	swait.ge [sflag:s5], $0x800;
	s12 =	simm.s32 @!p0 $0x0  }
0x2f: {  	[sflag:s5] =	ssyncset.done $0x0;
	s12 =	sshll.u32 s12, $0xB  }
0x30: {  	[sflag:s5] =	ssyncadd.s32 $0xFFFFF800;
	s14 =	sor.u32 $0x10, s12  }
0x31: {  	v0 =	vld [tilespmem:s14+$0xFFFFFFF0]  }
0x32: {  	v1 =	vld [tilespmem:s14+$0x0];
	_ =	sdelay $0x1  }
0x33: {  	s30 =	sand.u32 $0x1, s10  }
0x34: {  	s13 =	simm.s32 $0x0;
	s12 =	smul.u32 $0x2040, s30  }
0x35: {  	s15 =	sand.u32 $0x7C, s13  }
0x36: {  	s17 =	sshrl.u32 s15, $0x1;
	s15 =	sadd.s32 $0x20, s14;
	s12 =	sshrl.u32 s12, $0x2;
	v2 =	vperm.xlane.i2c.b16 v1;
	v3 =	vperm.xlane.i2c.b16 v0  }
0x37: {  	s16 =	sand.u32 $0x80, s13;
	s12 =	sor.u32 $0x1000, s12;
	v0 =	vld [tilespmem:s15+$0xFFFFFFF0]  }
0x38: {  	s16 =	sshrl.u32 s16, $0x1;
	s31 =	sadd.s32 s17, s12;
	v1 =	vld [tilespmem:s15+$0x0];
	v4 =	vcombine.low v3, v2  }
0x39: {  	s14 =	sadd.s32 s16, s31  }
0x3a: {  	s16 =	simm.s32 $0x2;
	v2 =	vcombine.high v3, v2;
	[tilespmem:s14+$0x0 ss:$0x81] =	vst.msk $0xffff, v4  }
.LBB1_3:
0x3b: {  	s16 =	sadd.s32 $0x2, s16  }
0x3c: {  	s15 =	sadd.s32 $0x20, s15;
	[tilespmem:s14+$0x1 ss:$0x81] =	vst.msk $0xffff, v2;
	s13 =	sadd.s32 $0x4, s13;
	p1 =	slt.u32 s16, $0x7E  }
.Ltmp3:
0x3d: {  	v2 =	vperm.xlane.i2c.b16 v1;
	v3 =	vperm.xlane.i2c.b16 v0;
	s14 =	sand.u32 $0x7C, s13;
	v0 =	vld [tilespmem:s15+$0xFFFFFFF0];
	(pc) =	sbr.rel @p1 .LBB1_3-.Ltmp3, $4  }
0x3e: {  	s17 =	sand.u32 $0x80, s13;
	v1 =	vld [tilespmem:s15+$0x0];
	s14 =	sshrl.u32 s14, $0x1  }
0x3f: {  	v4 =	vcombine.low v3, v2;
	s17 =	sshrl.u32 s17, $0x1;
	s14 =	sadd.s32 s14, s12  }
0x40: {  	v2 =	vcombine.high v3, v2;
	s14 =	sadd.s32 s17, s14  }
0x41: {  	[tilespmem:s14+$0x0 ss:$0x81] =	vst.msk $0xffff, v4  }
.Ltmp4:
0x42: {  	_ = 	snop;
	(pc) =	sbr.rel .LBB1_4-.Ltmp4, $1  }
0x43: {  	_ =	sdelay $0x3  }
.LBB1_6:
0x44: {  	_ =	sfence.sel $0x180000  }
0x45: {  	s2 =	simm.s32 $0x1;
	[bflag:$0x0] =	sbarrier.arrive $0xFFFF  }
0x46: {  	s31 =	simm.s32 $0x2;
	[sflag:s2] =	ssyncpa.u1 $0x1  }
0x47: {  	[sflag:s31] =	ssyncpa.u1 $0x1  }
0x48: {  	p0 =	sne.s32 s0, $0x0;
	_ =	strace $0x9000004A  }
0x49: {  	s0 =	sadd.s32 @!p0 $0x100000, s1;
	[bflag:$0x2] =	sbarrier.arrive $0xFFFF  }
0x4a: {  	[sflag:s0] =	ssyncadd.tile.s32 @!p0 $0x1;
	_ =	shalt  }
.Lfunc_end1:
_tile_overlayer_lowered:
.L_overlay_start_2:
0x4b: {  	(tag) =	ssettag $0x2  }
0x4c: {  	s0 =	rddreg [dreg:$0x0];
	s2 =	stileid.u32  }
0x4d: {  	s1 =	rddreg [dreg:$0x1];
	p0 =	sne.s32 s2, $0x0  }
0x4e: {  	s3 =	rddreg [dreg:$0x2];
	[bflag:$0x3] =	sbarrier.arrive $0xFFFF;
	s2 =	simm.s32 @!p0 $0x1C01  }
0x4f: {  	[timem:s3], [sflag:s2] =	dma.local @!p0 [hbm:s0], s1  }
0x50: {  	s0 =	simm.s32 @!p0 $0x1  }
0x51: {  	_ =	swait.ge @!p0 [sflag:s0], s1  }
0x52: {  	s1 =	ssub.s32 @!p0 $0x0, s1;
	[sflag:s0] =	ssyncset.done @!p0 $0x0  }
0x53: {  	[sflag:s0] =	ssyncadd.s32 @!p0 s1  }
0x54: {  	[bflag:$0x3] =	sbarrier.arrive $0xFFFF  }
0x55: {  	_ =	shalt  }

// kernel: sparse-core-data-format-call.cloned.1.call-start
scs
called_computation_lowered:
.L_overlay_start_0:
0x0: {  	s2 =	sld [smem:$0x3FD9]  }
0x1: {  	s3 =	sld [smem:$0x3FFE];
	_ =	sdelay $0x1  }
0x2: {  	s1 =	srdreg.scid  }
0x3: {  	s0 =	sand.u32 $0x1, s1  }
0x4: {  	s18 =	sshll.u32 s0, $0xA;
	s2 =	sadd.s32 s3, s2  }
0x5: {  	s2 =	sadd.s32 s2, s18  }
0x6: {  	[smem:$0x3FC6] =	sst s2  }
0x7: {  	_ = 	snop  }
0x8: {  	s2 =	sld [smem:$0x3FD0];
	(tm) =	ssettm $0x1  }
0x9: {  	s19 =	sld [smem:$0x3FFB];
	_ =	sdelay $0x3  }
0xa: {  	_ =	strace s19  }
0xb: {  	s3 =	sld [smem:$0x3FFC];
	_ =	sdelay $0x3  }
0xc: {  	_ =	strace s3  }
0xd: {  	s3 =	sld [smem:$0x3FFD];
	_ =	sdelay $0x3  }
0xe: {  	_ =	strace s3  }
0xf: {  	_ =	strace $0x8FFFFFFF  }
0x10: {  	s20 =	sld [smem:$0x3FDB];
	_ =	sdelay $0x1  }
0x11: {  	s4 =	simm.s32 $_scs_section_size  }
0x12: {  	s5 =	simm.s32 $_size__tile_overlayer_lowered;
	s6 =	simm.s32 $_tile_overlayer_lowered  }
0x13: {  	s23 =	simm.s32 $0x1BFF;
	s22 =	sshll.u32 s6, $0x1;
	s3 =	sadd.s32 s4, s20  }
0x14: {  	s7 =	simm.s32 $0x0;
	s21 =	sshll.u32 s5, $0x1;
	s5 =	sadd.s32 s22, s3  }
0x15: {  	[timem:s7], [sflag:s23] =	dma.local [hbm:s5], s21  }
0x16: {  	_ =	swait.ge [sflag:s23], s21  }
0x17: {  	s4 =	ssub.s32 $0x0, s21;
	[sflag:s23] =	ssyncset.done $0x0  }
0x18: {  	[sflag:s23] =	ssyncadd.s32 s4;
	_ =	sdelay $0x1  }
0x19: {  	s24 =	simm.s32 $0x1B8B  }
0x1a: {  	_ =	swait.ge [sflag:s24], $0x1  }
0x1b: {  	[sflag:s24] =	ssyncset.done $0x0  }
0x1c: {  	s26 =	simm.s32 $0x1B8E;
	s25 =	sld [smem:$0x3FFE];
	[sflag:s24] =	ssyncadd.s32 $0xFFFFFFFF  }
0x1d: {  	s27 =	simm.s32 $execute0_lowered;
	[smem:$0x3FD2] =	sst s26  }
0x1e: {  	s5 =	sshll.u32 s27, $0x1;
	_ =	strace $0x8000004C;
	[dreg:$0x1] =	wrdreg $0xFFFFFFFF  }
0x1f: {  	s28 =	simm.s32 $_size_execute0_lowered;
	s3 =	sadd.s32 s3, s5;
	[dreg:$0x0] =	wrdreg $0x0  }
0x20: {  	s5 =	sshll.u32 s28, $0x1;
	[dreg:$0x2] =	wrdreg s3  }
0x21: {  	[dreg:$0x3] =	wrdreg s5  }
0x22: {  	[dreg:$0x4] =	wrdreg $0xC0  }
0x23: {  	_ =	task [dreg:s7], $0x5FFFF  }
0x24: {  	[dreg:$0x1] =	wrdreg $0xFFFFFFFF  }
0x25: {  	[dreg:$0x0] =	wrdreg $0x60  }
0x26: {  	[dreg:$0x2] =	wrdreg s25  }
0x27: {  	[dreg:$0x3] =	wrdreg s2  }
0x28: {  	[dreg:$0x4] =	wrdreg $0x9  }
0x29: {  	_ =	task.clear_ibuf [dreg:s7], $0x5FFFF;
	_ =	strace $0x9000004C  }
0x2a: {  	s29 =	simm.s32 $0x9;
	_ =	strace $0x8000004E  }
0x2b: {  	_ =	swait.ge [sflag:s29], $0x1  }
0x2c: {  	[sflag:s29] =	ssyncadd.s32 $0xFFFFFFFF  }
0x2d: {  	_ =	strace $0x9000004E  }
0x2e: {  	_ =	sfence  }
0x2f: {  	s30 =	sld [smem:$0x0];
	_ =	sdelay $0x2  }
0x30: {  	s31 =	sshll.u32 s1, $0xD;
	s1 =	sshrl.u32 s1, $0x2  }
0x31: {  	s3 =	sand.u32 $0x4000, s31;
	s1 =	sadd.s32 s1, s30  }
0x32: {  	s0 =	sor.u32 s3, s0;
	s1 =	sshll.u32 s1, $0x11  }
0x33: {  	s0 =	sor.u32 s1, s0  }
0x34: {  	s0 =	sadd.s32 $0x8F2B, s0  }
0x35: {  	[sflag:s0] =	ssyncadd.remote.s32 $0x1  }
0x36: {  	_ =	sfence.sel $0xFFFF  }
0x37: {  	[dreg:$0x0] =	wrdreg $0xFFFFFFFF;
	(pc) =	sbr.abs _section_cstart, $3  }
0x38: {  	[dreg:$0x1] =	wrdreg $0xFFFFFFFF  }
0x39: {  	_ =	task.clear_ibuf [dreg:s7], $0x2FFFF;
	_ =	strace $0x9FFFFFFF  }
0x3a: {  	(tm) =	ssettm $0x7FFFFFFF  }
0x3b: {  	_ =	shalt  }
tec
execute0_lowered:
.L_overlay_start_1:
0x0: {  	(tag) =	ssettag $0x1  }
0x1: {  	s10 =	rddreg [dreg:$0x0]  }
0x2: {  	s2 =	rddreg [dreg:$0x1]  }
0x3: {  	s0 =	stileid.u32;
	s1 =	srdreg.scid  }
0x4: {  	s31 =	simm.s32 $0x2;
	s18 =	simm.s32 $0x0;
	s12 =	simm.s32 $0x40000  }
0x5: {  	s19 =	simm.s32 $0x0;
	s13 =	simm.s32 $0x0;
	s14 =	simm.s32 $0x0  }
0x6: {  	s17 =	simm.s32 $0x0;
	s3 =	sshll.u32 s0, $0x2;
	s4 =	sshll.u32 s0, $0x4  }
0x7: {  	s5 =	sshll.u32 s1, $0x8;
	s1 =	rddreg [dreg:$0x2];
	_ =	strace $0x8000004D  }
0x8: {  	s3 =	sand.u32 $0x1C, s3;
	s4 =	sor.u32 s4, s5;
	s5 =	sadd.s32 $0xE00, s10  }
0x9: {  	s4 =	sand.u32 $0x180, s4;
	s6 =	ssub.s32 $0x20, s3;
	s16 =	smov.u32 s3  }
0xa: {  	s7 =	sand.u32 $0x1C, s6;
	s8 =	ssub.s32 $0x4000, s4;
	s11 =	sshrl.u32 s6, $0x5  }
0xb: {  	p0 =	sne.s32 s7, $0x0;
	s7 =	simm.s32 $0x1;
	s9 =	sand.u32 $0x180, s8  }
0xc: {  	s7 =	simm.s32 @!p0 $0x0;
	p0 =	sne.s32 s9, $0x0;
	s9 =	simm.s32 $0x1  }
.Ltmp0:
0xd: {  	s8 =	sshrl.u32 s8, $0x9;
	s9 =	simm.s32 @!p0 $0x0;
	(pc) =	sbr.rel .LBB1_1-.Ltmp0, $4  }
0xe: {  	s6 =	simm.s32 $0x1;
	s7 =	sadd.s32 s7, s11;
	s8 =	sadd.s32 s9, s8  }
0xf: {  	s15 =	smov.u32 s4;
	[sflag:s6] =	ssyncpa.u1 $0x0;
	s7 =	smul.u32 s7, s8  }
0x10: {  	[sflag:s31] =	ssyncpa.u1 $0x0;
	p0 =	por $0x0, $0x0;
	s9 =	sadd.s32 $0x40E00, s10  }
0x11: {  	s8 =	sadd.s32 $0x20E00, s10;
	s10 =	sadd.s32 $0x60E00, s10;
	s11 =	sadd.s32 $0x1, s7  }
.LBB1_7:
0x12: {  	p1 =	slt.u32 s17, $0x2  }
0x13: {  	s21 =	smov.u32 s19;
	p2 =	sgt.s32 @!p1 s19, $0x1C;
	s20 =	sshra.s32 @!p1 s19, $0x1F  }
0x14: {  	p3 =	sgt.s32 @!p1 s18, $0x3F80;
	s22 =	sshra.s32 @!p1 s18, $0x1F;
	p2 =	por !p2, p1  }
0x15: {  	s19 =	sand.u32 @!p1 s20, s19;
	p3 =	por !p3, p1;
	s20 =	smov.u32 s18  }
0x16: {  	s18 =	sand.u32 @!p1 s22, s18;
	s21 =	simm.s32 @p2 $0x1C;
	s20 =	simm.s32 @p3 $0x3F80  }
0x17: {  	s22 =	smov.u32 s16;
	s19 =	ssub.s32 @!p1 s21, s19;
	s18 =	ssub.s32 @!p1 s20, s18  }
0x18: {  	s20 =	sadd.s32 @!p1 $0xFFFFFFE4, s19;
	s19 =	ssub.s32 @!p1 $0x20, s19;
	s21 =	sadd.s32 @!p1 $0xFFFFC080, s18  }
0x19: {  	p2 =	sgt.s32 @!p1 s20, $0x3;
	s19 =	smul.u32 @!p1 $0x32, s19;
	p3 =	sgt.s32 @!p1 s21, $0x7F  }
0x1a: {  	s18 =	ssub.s32 @!p1 $0x4000, s18;
	p2 =	por !p2, p1;
	p3 =	por !p3, p1  }
0x1b: {  	s20 =	sadd.s32 $0x200, s15;
	s19 =	simm.s32 @!p2 $0x0;
	s18 =	simm.s32 @!p3 $0x0  }
0x1c: {  	p2 =	sgt.s32 s20, $0x3FFF;
	s18 =	smul.u32 @!p1 s18, s19;
	s19 =	sadd.s32 $0x20, s16  }
0x1d: {  	s22 =	smov.u32 @p2 s19  }
0x1e: {  	s20 =	smov.u32 @p2 s4;
	p2 =	sgt.s32 s22, $0x1F  }
0x1f: {  	p0 =	por !p0, !p0;
	s22 =	smov.u32 @p2 s3;
	p2 =	sne.s32 s17, s11  }
.Ltmp1:
0x20: {  	s21 =	simm.s32 @!p1 $0x2;
	s18 =	sshrl.u32 @!p1 s18, $0x1;
	(pc) =	sbr.rel @!p2 .LBB1_8-.Ltmp1, $4  }
0x21: {  	s19 =	smov.u32 s14;
	s14 =	smov.u32 s16;
	s18 =	sand.u32 @!p1 $0x3FFFFFFF, s18  }
0x22: {  	s17 =	sadd.s32 $0x1, s17;
	_ =	swait.ge @!p1 [sflag:s21], s18;
	s23 =	ssub.s32 @!p1 $0x0, s18  }
0x23: {  	s18 =	smov.u32 s13;
	s13 =	smov.u32 s15;
	[sflag:s21] =	ssyncset.done @!p1 $0x0  }
0x24: {  	s15 =	smov.u32 s20;
	s16 =	smov.u32 s22;
	[sflag:s21] =	ssyncadd.s32 @!p1 s23  }
.LBB1_1:
0x25: {  	p1 =	sge.u32 s17, s7  }
0x26: {  	s20 =	sshll.u32 @!p1 s16, $0x11  }
0x27: {  	s21 =	sshll.u32 @!p1 s15, $0x3;
	s22 =	sxor.u32 @!p1 $0xFFFFFFFF, s17;
	s24 =	simm.s32 @!p1 $0x40  }
0x28: {  	s21 =	sand.u32 @!p1 $0x1FFF0, s21;
	s23 =	sadd.s32 @!p1 s5, s20;
	s22 =	sshll.u32 @!p1 s22, $0xE  }
0x29: {  	s25 =	simm.s32 @!p1 $0x80;
	s23 =	sadd.s32 @!p1 s21, s23;
	s22 =	sand.u32 @!p1 $0x4000, s22  }
0x2a: {  	[tilespmem:s22], [sflag:$0x1] =	stream.strided.gather @!p1 [hbm4b:s23+s24], $0x1000, s25, s24, $0x38;
	[tilespmem:$0x10100] =	vst v63  }
0x2b: {  	s23 =	sadd.s32 @!p1 s20, s8  }
0x2c: {  	s26 =	sor.u32 @!p1 $0x1000, s22;
	s23 =	sadd.s32 @!p1 s21, s23  }
0x2d: {  	[tilespmem:s26], [sflag:$0x1] =	stream.strided.gather @!p1 [hbm4b:s23+s24], $0x1000, s25, s24, $0x38;
	[tilespmem:$0x10100] =	vst v63  }
0x2e: {  	s23 =	sadd.s32 @!p1 s20, s9  }
0x2f: {  	s26 =	sor.u32 @!p1 $0x2000, s22;
	s20 =	sadd.s32 @!p1 s20, s10;
	s23 =	sadd.s32 @!p1 s21, s23  }
0x30: {  	[tilespmem:s26], [sflag:$0x1] =	stream.strided.gather @!p1 [hbm4b:s23+s24], $0x1000, s25, s24, $0x38;
	[tilespmem:$0x10100] =	vst v63  }
0x31: {  	s31 =	sadd.s32 $0xFFFFFFFF, s17;
	s20 =	sadd.s32 @!p1 s21, s20;
	s21 =	sor.u32 @!p1 $0x3000, s22  }
0x32: {  	[tilespmem:s21], [sflag:$0x1] =	stream.strided.gather @!p1 [hbm4b:s20+s24], $0x1000, s25, s24, $0x38;
	[tilespmem:$0x10100] =	vst v63  }
0x33: {  	p1 =	sge.u32 s31, s7  }
.Ltmp2:
0x34: {  	_ = 	snop;
	(pc) =	sbr.rel @p1 .LBB1_7-.Ltmp2, $1  }
0x35: {  	_ =	sdelay $0x3  }
0x36: {  	s20 =	simm.s32 $0x1;
	s22 =	sand.u32 $0x1, s17  }
0x37: {  	_ =	swait.ge [sflag:s6], $0x4000;
	s20 =	simm.s32 @!p0 $0x0;
	s22 =	smul.u32 $0x10200, s22  }
0x38: {  	p2 =	por $0x1, $0x1;
	[sflag:s6] =	ssyncset.done $0x0;
	s21 =	smul.u32 $0x10200, s20  }
0x39: {  	s23 =	sshll.u32 s20, $0x10;
	[sflag:s6] =	ssyncadd.s32 $0xFFFFC000;
	s30 =	sshrl.u32 s22, $0x2  }
0x3a: {  	s31 =	sshrl.u32 s23, $0x2;
	s23 =	simm.s32 $0x0;
	s21 =	sshrl.u32 s21, $0x2  }
0x3b: {  	s20 =	sor.u32 $0x8000, s30;
	s22 =	sadd.s32 $0x1000, s31;
	s21 =	sadd.s32 $0xA040, s21  }
.LBB1_3:
0x3c: {  	s24 =	sshll.u32 s23, $0xC  }
0x3d: {  	s24 =	sand.u32 $0x3FFFF000, s24  }
0x3e: {  	s24 =	sadd.s32 s24, s22  }
0x3f: {  	v0 =	vld [tilespmem:s24+$0xFFFFF030]  }
0x40: {  	v1 =	vld [tilespmem:s24+$0x30]  }
0x41: {  	v2 =	vld [tilespmem:s24+$0x0]  }
0x42: {  	v3 =	vld [tilespmem:s24+$0xFFFFF010]  }
0x43: {  	v4 =	vld [tilespmem:s24+$0x10]  }
0x44: {  	v5 =	vld [tilespmem:s24+$0xFFFFF020]  }
0x45: {  	v6 =	vld [tilespmem:s24+$0x20]  }
0x46: {  	v9 =	vld [tilespmem:s24+$0xFFFFF000];
	s24 =	sadd.s32 $0x40, s24  }
0x47: {  	s31 =	smul.u32 $0x102, s23;
	v12 =	vld [tilespmem:s24+$0x30];
	v7 =	vunpack.i.l.s16.s32 v0;
	v8 =	vunpack.i.l.s16.s32 v1  }
0x48: {  	v0 =	vunpack.i.u.s16.s32 v0;
	v1 =	vunpack.i.u.s16.s32 v1;
	v10 =	vunpack.i.u.s16.s32 v2  }
0x49: {  	s23 =	sshra.s32 s31, $0x2;
	v11 =	vunpack.i.l.s16.s32 v2;
	v13 =	vunpack.i.u.s16.s32 v3;
	v3 =	vunpack.i.l.s16.s32 v3  }
0x4a: {  	s23 =	sadd.s32 s23, s21;
	v14 =	vunpack.i.u.s16.s32 v4;
	v4 =	vunpack.i.l.s16.s32 v4;
	v7 =	vpack.i.b32.b16 v8, v7;
	v8 =	vld [tilespmem:s24+$0xFFFFF030]  }
0x4b: {  	v2 =	vld [tilespmem:s24+$0xFFFFF010];
	v15 =	vunpack.i.u.s16.s32 v6;
	v1 =	vpack.i.b32.b16 v1, v0;
	v13 =	vpack.i.b32.b16 v14, v13;
	[tilespmem:s23+$0x1020 ss:$0x102] =	vst.msk $0xffff, v7  }
0x4c: {  	v0 =	vld [tilespmem:s24+$0x0];
	v63 =	vunpack.i.l.s16.s32 v12;
	v7 =	vunpack.i.u.s16.s32 v5;
	[tilespmem:s23+$0x1021 ss:$0x102] =	vst.msk $0xffff, v1;
	v1 =	vpack.i.b32.b16 v4, v3  }
0x4d: {  	v3 =	vunpack.i.l.s16.s32 v6;
	v4 =	vld [tilespmem:s24+$0x10];
	v6 =	vunpack.i.u.s16.s32 v9;
	v9 =	vunpack.i.l.s16.s32 v9;
	[tilespmem:s23+$0xFFFFEFE0 ss:$0x102] =	vst.msk $0xffff, v1  }
0x4e: {  	v5 =	vunpack.i.l.s16.s32 v5;
	v7 =	vpack.i.b32.b16 v15, v7;
	v1 =	vld [tilespmem:s24+$0xFFFFF020];
	v9 =	vpack.i.b32.b16 v11, v9;
	[tilespmem:s23+$0xFFFFEFE1 ss:$0x102] =	vst.msk $0xffff, v13  }
0x4f: {  	p1 =	por p2, p2;
	v11 =	vpack.i.b32.b16 v10, v6;
	v6 =	vpack.i.b32.b16 v3, v5;
	v3 =	vld [tilespmem:s24+$0x20];
	[tilespmem:s23+$0xFFFFDFC0 ss:$0x102] =	vst.msk $0xffff, v9;
	v10 =	vunpack.i.l.s16.s32 v8  }
0x50: {  	s25 =	simm.s32 $0x2;
	s26 =	sadd.s32 $0x40, s24;
	v5 =	vld [tilespmem:s24+$0xFFFFF000];
	s24 =	sadd.s32 $0x2, s23;
	v9 =	vunpack.i.u.s16.s32 v12;
	v8 =	vunpack.i.u.s16.s32 v8;
	[tilespmem:s23+$0xFFFFDFC1 ss:$0x102] =	vst.msk $0xffff, v11;
	v10 =	vpack.i.b32.b16 v63, v10  }
.LBB1_4:
0x51: {  	v11 =	vld [tilespmem:s26+$0xFFFFF030];
	v12 =	vunpack.i.u.s16.s32 v0;
	v13 =	vunpack.i.l.s16.s32 v0;
	[tilespmem:s24+$0x1020 ss:$0x102] =	vst.msk $0xffff, v10;
	v0 =	vpack.i.b32.b16 v9, v8  }
0x52: {  	v8 =	vunpack.i.u.s16.s32 v2;
	v10 =	vunpack.i.l.s16.s32 v2;
	s25 =	sadd.s32 $0x2, s25;
	v9 =	vld [tilespmem:s26+$0x30];
	v14 =	vunpack.i.u.s16.s32 v4;
	[tilespmem:s24+$0x1021 ss:$0x102] =	vst.msk $0xffff, v0  }
0x53: {  	v4 =	vunpack.i.l.s16.s32 v4;
	p2 =	slt.u32 s25, $0x7E;
	v0 =	vld [tilespmem:s26+$0x0];
	v15 =	vunpack.i.u.s16.s32 v1;
	v16 =	vunpack.i.l.s16.s32 v1;
	[tilespmem:s23+$0x0 ss:$0x102] =	vst.msk $0xffff, v6  }
.Ltmp3:
0x54: {  	v1 =	vpack.i.b32.b16 v4, v10;
	v2 =	vld [tilespmem:s26+$0xFFFFF010];
	v10 =	vunpack.i.u.s16.s32 v3;
	v3 =	vunpack.i.l.s16.s32 v3;
	[tilespmem:s23+$0x1 ss:$0x102] =	vst.msk $0xffff, v7;
	s23 =	smov.u32 s24;
	(pc) =	sbr.rel @p2 .LBB1_4-.Ltmp3, $4  }
0x55: {  	v7 =	vpack.i.b32.b16 v14, v8;
	v4 =	vld [tilespmem:s26+$0x10];
	v6 =	vunpack.i.u.s16.s32 v5;
	v5 =	vunpack.i.l.s16.s32 v5;
	[tilespmem:s24+$0xFFFFEFE0 ss:$0x102] =	vst.msk $0xffff, v1  }
0x56: {  	v1 =	vld [tilespmem:s26+$0xFFFFF020];
	v5 =	vpack.i.b32.b16 v13, v5;
	v12 =	vpack.i.b32.b16 v12, v6;
	[tilespmem:s24+$0xFFFFEFE1 ss:$0x102] =	vst.msk $0xffff, v7;
	v6 =	vpack.i.b32.b16 v3, v16  }
0x57: {  	v13 =	vunpack.i.l.s16.s32 v11;
	v7 =	vpack.i.b32.b16 v10, v15;
	v3 =	vld [tilespmem:s26+$0x20];
	v14 =	vunpack.i.l.s16.s32 v9;
	[tilespmem:s24+$0xFFFFDFC0 ss:$0x102] =	vst.msk $0xffff, v5  }
0x58: {  	v8 =	vunpack.i.u.s16.s32 v11;
	v9 =	vunpack.i.u.s16.s32 v9;
	s24 =	sadd.s32 $0x2, s24;
	v5 =	vld [tilespmem:s26+$0xFFFFF000];
	v10 =	vpack.i.b32.b16 v14, v13;
	s26 =	sadd.s32 $0x40, s26;
	[tilespmem:s23+$0xFFFFDFC1 ss:$0x102] =	vst.msk $0xffff, v12  }
0x59: {  	[tilespmem:s24+$0x1020 ss:$0x102] =	vst.msk $0xffff, v10  }
0x5a: {  	v8 =	vpack.i.b32.b16 v9, v8;
	[tilespmem:s23+$0x0 ss:$0x102] =	vst.msk $0xffff, v6  }
0x5b: {  	v49 =	vunpack.i.l.s16.s32 v2;
	[tilespmem:s24+$0x1021 ss:$0x102] =	vst.msk $0xffff, v8;
	v50 =	vunpack.i.l.s16.s32 v4  }
0x5c: {  	v51 =	vunpack.i.u.s16.s32 v2;
	v52 =	vunpack.i.u.s16.s32 v4;
	[tilespmem:s23+$0x1 ss:$0x102] =	vst.msk $0xffff, v7;
	v53 =	vpack.i.b32.b16 v50, v49  }
0x5d: {  	v2 =	vpack.i.b32.b16 v52, v51;
	v59 =	vunpack.i.l.s16.s32 v1;
	[tilespmem:s24+$0xFFFFEFE0 ss:$0x102] =	vst.msk $0xffff, v53;
	v60 =	vunpack.i.l.s16.s32 v3  }
.Ltmp4:
0x5e: {  	v54 =	vunpack.i.l.s16.s32 v0;
	v55 =	vunpack.i.l.s16.s32 v5;
	[tilespmem:s24+$0xFFFFEFE1 ss:$0x102] =	vst.msk $0xffff, v2;
	v2 =	vpack.i.b32.b16 v60, v59;
	(pc) =	sbr.rel @p1 .LBB1_3-.Ltmp4, $4  }
0x5f: {  	v61 =	vunpack.i.u.s16.s32 v1;
	v62 =	vunpack.i.u.s16.s32 v3;
	v58 =	vpack.i.b32.b16 v54, v55;
	[tilespmem:s24+$0x0 ss:$0x102] =	vst.msk $0xffff, v2  }
0x60: {  	v56 =	vunpack.i.u.s16.s32 v0;
	v57 =	vunpack.i.u.s16.s32 v5;
	v63 =	vpack.i.b32.b16 v62, v61;
	[tilespmem:s24+$0xFFFFDFC0 ss:$0x102] =	vst.msk $0xffff, v58  }
0x61: {  	v0 =	vpack.i.b32.b16 v56, v57;
	[tilespmem:s24+$0x1 ss:$0x102] =	vst.msk $0xffff, v63  }
0x62: {  	p2 =	por $0x0, $0x0;
	s23 =	simm.s32 $0x2;
	[tilespmem:s24+$0xFFFFDFC1 ss:$0x102] =	vst.msk $0xffff, v0  }
0x63: {  	s21 =	sshll.u32 s14, $0xE;
	s22 =	sshll.u32 s13, $0x3  }
0x64: {  	p1 =	sgt.s32 s14, $0x1C;
	s23 =	smov.u32 s14;
	s24 =	sshra.s32 s14, $0x1F  }
0x65: {  	s25 =	sshra.s32 s13, $0x1F;
	s27 =	sshll.u32 s14, $0x7;
	s29 =	sshll.u32 s13, $0x1  }
0x66: {  	s21 =	sand.u32 $0x60000, s21;
	s23 =	simm.s32 @!p1 $0x1C;
	s24 =	sand.u32 s24, s14  }
0x67: {  	p1 =	sgt.s32 s13, $0x3F80;
	s23 =	ssub.s32 s23, s24;
	s24 =	smov.u32 s13  }
0x68: {  	s25 =	sand.u32 s25, s13;
	s26 =	ssub.s32 $0x20, s23;
	s24 =	simm.s32 @!p1 $0x3F80  }
0x69: {  	s23 =	sadd.s32 $0xFFFFFFE4, s23;
	s26 =	smul.u32 $0x32, s26;
	s24 =	ssub.s32 s24, s25  }
0x6a: {  	s21 =	sadd.s32 s21, s22;
	p1 =	sgt.s32 s23, $0x3;
	s28 =	sadd.s32 $0xFFFFC080, s24  }
0x6b: {  	s24 =	ssub.s32 $0x4000, s24;
	s26 =	simm.s32 @p1 $0x0;
	p1 =	sgt.s32 s28, $0x7F  }
0x6c: {  	s22 =	sand.u32 $0x3C00, s22;
	s25 =	sand.u32 $0x300, s27;
	s24 =	simm.s32 @p1 $0x0  }
0x6d: {  	s23 =	sand.u32 $0xF0, s29;
	s22 =	sor.u32 s25, s22;
	s24 =	smul.u32 s24, s26  }
.Ltmp5:
0x6e: {  	s21 =	sand.u32 $0x7C000, s21;
	s22 =	sor.u32 s23, s22;
	(pc) =	sbr.rel .LBB1_7-.Ltmp5, $4  }
0x6f: {  	s30 =	sand.u32 $0x7, s13;
	s21 =	sor.u32 s21, s22  }
0x70: {  	s22 =	sshll.u32 s30, $0x12;
	s21 =	sshrl.u32 s21, $0x4;
	s31 =	sshrl.u32 s24, $0x1  }
0x71: {  	s22 =	sor.u32 $0x100, s22;
	s21 =	sadd.s32 s2, s21;
	s23 =	sand.u32 $0x3FFFFFFF, s31  }
0x72: {  	[hbm4b:s21+s22] =	stream.strided.scatter [tilespmem:s20], [sflag:$0x2], s23, s12, s22, $0x20;
	[tilespmem:$0x10100] =	vst v63  }
.LBB1_8:
0x73: {  	_ =	sfence.sel $0x180000  }
0x74: {  	s2 =	simm.s32 $0x1;
	[bflag:$0x0] =	sbarrier.arrive $0xFFFF  }
0x75: {  	s31 =	simm.s32 $0x2;
	[sflag:s2] =	ssyncpa.u1 $0x1  }
0x76: {  	[sflag:s31] =	ssyncpa.u1 $0x1  }
0x77: {  	p0 =	sne.s32 s0, $0x0;
	_ =	strace $0x9000004D  }
0x78: {  	s0 =	sadd.s32 @!p0 $0x100000, s1;
	[bflag:$0x2] =	sbarrier.arrive $0xFFFF  }
0x79: {  	[sflag:s0] =	ssyncadd.tile.s32 @!p0 $0x1;
	_ =	shalt  }
.Lfunc_end1:
_tile_overlayer_lowered:
.L_overlay_start_2:
0x7a: {  	(tag) =	ssettag $0x2  }
0x7b: {  	s0 =	rddreg [dreg:$0x0];
	s2 =	stileid.u32  }
0x7c: {  	s1 =	rddreg [dreg:$0x1];
	p0 =	sne.s32 s2, $0x0  }
0x7d: {  	s3 =	rddreg [dreg:$0x2];
	[bflag:$0x3] =	sbarrier.arrive $0xFFFF;
	s2 =	simm.s32 @!p0 $0x1C01  }
0x7e: {  	[timem:s3], [sflag:s2] =	dma.local @!p0 [hbm:s0], s1  }
0x7f: {  	s0 =	simm.s32 @!p0 $0x1  }
0x80: {  	_ =	swait.ge @!p0 [sflag:s0], s1  }
0x81: {  	s1 =	ssub.s32 @!p0 $0x0, s1;
	[sflag:s0] =	ssyncset.done @!p0 $0x0  }
0x82: {  	[sflag:s0] =	ssyncadd.s32 @!p0 s1  }
0x83: {  	[bflag:$0x3] =	sbarrier.arrive $0xFFFF  }
0x84: {  	_ =	shalt  }

</sc_bundles>
